<compile_context>
chip_gen: v7x
topology: tpu7x:2x2x1
jax: 0.10.2.dev20260603
libtpu: 0.0.44.dev20260713+nightly
codegen_flags: <defaults>
</compile_context>

<pallas_src>
import functools

import jax
import jax.numpy as jnp
from jax import lax
from jax.experimental import pallas as pl
from jax.experimental.pallas import tpu as pltpu
from jax.experimental.pallas import tpu_sc as plsc


DIM = 1024
LANES = 16

_NUM_WORKERS = 32
_CHUNK_ROWS = 8


def _sc_body(x_hbm, emb_hbm, out_hbm, *scratch, batch, rows_per_worker):
    npairs = batch // 2
    xbuf = [list(scratch[h * batch:(h + 1) * batch]) for h in range(2)]
    rest = scratch[2 * batch:]
    obuf = [list(rest[pr * 2:(pr + 1) * 2]) for pr in range(npairs)]
    rest = rest[npairs * 2:]
    ebuf = rest[0:2]
    sbuf = rest[2]
    esem = rest[3:5]
    lsem = rest[5:7]
    ssem = rest[7:9]
    bsem = rest[9]

    wid = lax.axis_index("s") * 2 + lax.axis_index("c")
    sid = lax.axis_index("s")
    row0 = wid * rows_per_worker
    nc = rows_per_worker // _CHUNK_ROWS

    def e_src(c):
        return emb_hbm.at[pl.ds(row0 + c * _CHUNK_ROWS, _CHUNK_ROWS), :]

    def x_src(c, b):
        return x_hbm.at[b, pl.ds(row0 + c * _CHUNK_ROWS, _CHUNK_ROWS), :]

    def o_dst(c, b):
        return out_hbm.at[b, pl.ds(row0 + c * _CHUNK_ROWS, _CHUNK_ROWS), :]

    sb = sbuf.at[sid]

    def do_chunk(c, h, eguard, lguard, sguard):

        def when(g, fn):
            if g is None:
                fn()
            else:
                pl.when(g)(fn)

        pltpu.make_async_copy(e_src(c), ebuf[h], esem[h]).wait()
        when(eguard, lambda: pltpu.make_async_copy(
            e_src(c + 1), ebuf[1 - h], esem[1 - h]).start())

        def start_loads():
            for b in range(batch):
                pltpu.make_async_copy(x_src(c + 1, b), xbuf[1 - h][b],
                                      lsem[1 - h]).start()
        when(lguard, start_loads)

        for pr in range(npairs):
            b0, b1 = 2 * pr, 2 * pr + 1
            pltpu.make_async_copy(x_src(c, b0), xbuf[h][b0], lsem[h]).wait()
            pltpu.make_async_copy(x_src(c, b1), xbuf[h][b1], lsem[h]).wait()

            def drain(pr=pr, b0=b0, b1=b1):
                pltpu.make_async_copy(obuf[pr][0], o_dst(c - 1, b0),
                                      ssem[pr]).wait()
                if pr == 0:
                    pltpu.make_async_copy(sb, o_dst(c - 1, b1), bsem).wait()
                else:
                    pltpu.make_async_copy(obuf[pr][1], o_dst(c - 1, b1),
                                          ssem[pr]).wait()
            when(sguard, drain)

            o0, o1 = obuf[pr][0], obuf[pr][1]
            x0, x1 = xbuf[h][b0], xbuf[h][b1]

            @functools.partial(plsc.parallel_loop, 0, _CHUNK_ROWS)
            def _(r, o0=o0, o1=o1, x0=x0, x1=x1, h=h):
                for u in range(DIM // LANES):
                    sl = pl.ds(u * LANES, LANES)
                    ev = ebuf[h][r, sl]
                    o0[r, sl] = x0[r, sl] + ev
                    o1[r, sl] = x1[r, sl] + ev

            pltpu.make_async_copy(obuf[pr][0], o_dst(c, b0), ssem[pr]).start()
            if pr == 0:
                pltpu.make_async_copy(sb, o_dst(c, b1), bsem).start()
            else:
                pltpu.make_async_copy(obuf[pr][1], o_dst(c, b1),
                                      ssem[pr]).start()

    pltpu.make_async_copy(e_src(0), ebuf[0], esem[0]).start()
    for b in range(batch):
        pltpu.make_async_copy(x_src(0, b), xbuf[0][b], lsem[0]).start()

    def pair_of_chunks(c2, _):
        c = c2 * 2
        do_chunk(c, 0, None, None, c2 > 0)
        do_chunk(c + 1, 1, c2 < nc // 2 - 1, c2 < nc // 2 - 1, None)
        return 0

    lax.fori_loop(0, nc // 2, pair_of_chunks, 0, unroll=False)

    for pr in range(npairs):
        pltpu.make_async_copy(obuf[pr][0], o_dst(nc - 1, 2 * pr),
                              ssem[pr]).wait()
        if pr == 0:
            pltpu.make_async_copy(sb, o_dst(nc - 1, 1), bsem).wait()
        else:
            pltpu.make_async_copy(obuf[pr][1], o_dst(nc - 1, 2 * pr + 1),
                                  ssem[pr]).wait()


def kernel(x, emb):
    batch, seq, dim = x.shape
    rows_per_worker = seq // _NUM_WORKERS
    mesh = plsc.VectorSubcoreMesh(core_axis_name="c", subcore_axis_name="s")
    body = functools.partial(
        _sc_body, batch=batch, rows_per_worker=rows_per_worker
    )
    vmem = pltpu.VMEM((_CHUNK_ROWS, DIM), jnp.float32)
    return pl.kernel(
        body,
        out_type=jax.ShapeDtypeStruct((batch, seq, dim), jnp.float32),
        mesh=mesh,
        scratch_types=(
            [vmem] * (2 * batch)
            + [vmem] * batch
            + [vmem] * 2
            + [pltpu.VMEM_SHARED(
                (16, _CHUNK_ROWS, DIM), jnp.float32)]
            + [pltpu.SemaphoreType.DMA] * 2
            + [pltpu.SemaphoreType.DMA] * 2
            + [pltpu.SemaphoreType.DMA] * 2
            + [pltpu.SemaphoreType.DMA]
        ),
    )(x, emb[:seq])

# --- scband reference (transcript-rebuilt; emitter-appended) ---
"""Pipeline reference for scband-learnable-pos-embedding-6768868459120 (READ-ONLY COPY).

The authoritative reference and input builder live on the scoring server;
editing this copy changes nothing except your own understanding.
"""

import jax, jax.numpy as jnp
import numpy as np

DIM = 1024
MAX_SEQ_LEN = 8192
BATCH = 4
SEQ = 8192


def setup_inputs(seed: int = 0) -> dict:
    key = jax.random.key(seed)
    k1, k2 = jax.random.split(key)
    x = jax.random.normal(k1, (BATCH, SEQ, DIM), dtype=jnp.float32)
    emb = jax.random.normal(k2, (MAX_SEQ_LEN, DIM), dtype=jnp.float32) * 0.02
    return {"x": x, "emb": emb}


def reference(x, emb):
    # position_ids = buffer arange(max_seq_len)[: x.size(-2)]
    position_ids = jnp.arange(MAX_SEQ_LEN)[: x.shape[-2]]
    pos = jnp.take(emb, position_ids, axis=0)  # [seq, dim]
    return x + pos

if __name__ == "__main__":
    import jax
    _d = setup_inputs()
    print(jax.jit(kernel)(*tuple(_d.values())))

</pallas_src>

<mosaic_0001>
#map = affine_map<(d0, d1) -> (0, 0, 0)>
#map1 = affine_map<(d0, d1) -> (0, 0)>
module attributes {stable_mosaic.version = 14 : i64} {
  func.func @_sc_body(%arg0: i32, %arg1: i32, %arg2: memref<4x8192x1024xf32, #tpu.memory_space<hbm>>, %arg3: memref<8192x1024xf32, #tpu.memory_space<hbm>>, %arg4: memref<4x8192x1024xf32, #tpu.memory_space<hbm>>, %arg5: memref<8x1024xf32, #tpu.memory_space<vmem>>, %arg6: memref<8x1024xf32, #tpu.memory_space<vmem>>, %arg7: memref<8x1024xf32, #tpu.memory_space<vmem>>, %arg8: memref<8x1024xf32, #tpu.memory_space<vmem>>, %arg9: memref<8x1024xf32, #tpu.memory_space<vmem>>, %arg10: memref<8x1024xf32, #tpu.memory_space<vmem>>, %arg11: memref<8x1024xf32, #tpu.memory_space<vmem>>, %arg12: memref<8x1024xf32, #tpu.memory_space<vmem>>, %arg13: memref<8x1024xf32, #tpu.memory_space<vmem>>, %arg14: memref<8x1024xf32, #tpu.memory_space<vmem>>, %arg15: memref<8x1024xf32, #tpu.memory_space<vmem>>, %arg16: memref<8x1024xf32, #tpu.memory_space<vmem>>, %arg17: memref<8x1024xf32, #tpu.memory_space<vmem>>, %arg18: memref<8x1024xf32, #tpu.memory_space<vmem>>, %arg19: memref<16x8x1024xf32, #tpu.memory_space<vmem_shared>>, %arg20: memref<!tpu.dma_semaphore, #tpu.memory_space<semaphore_mem>>, %arg21: memref<!tpu.dma_semaphore, #tpu.memory_space<semaphore_mem>>, %arg22: memref<!tpu.dma_semaphore, #tpu.memory_space<semaphore_mem>>, %arg23: memref<!tpu.dma_semaphore, #tpu.memory_space<semaphore_mem>>, %arg24: memref<!tpu.dma_semaphore, #tpu.memory_space<semaphore_mem>>, %arg25: memref<!tpu.dma_semaphore, #tpu.memory_space<semaphore_mem>>, %arg26: memref<!tpu.dma_semaphore, #tpu.memory_space<semaphore_mem>>) attributes {dimension_semantics = [#tpu.dimension_semantics<core_parallel>, #tpu.dimension_semantics<subcore_parallel>], iteration_bounds = array<i64: 2, 16>, scalar_prefetch = 0 : i64, scratch_operands = 22 : i64, tpu.core_type = #tpu.core_type<sc_vector_subcore>, window_params = [{transform_indices = #map}, {transform_indices = #map1}, {transform_indices = #map}]} {
    %mul3A = arith.constant 2 : i32
    %mul3A_0 = arith.muli %arg1, %mul3A : i32
    %add3A = arith.addi %mul3A_0, %arg0 : i32
    %mul3A_1 = arith.constant 256 : i32
    %mul3A_2 = arith.muli %add3A, %mul3A_1 : i32
    %add3A_3 = arith.constant 0 : i32
    %add3A_4 = arith.addi %mul3A_2, %add3A_3 : i32
    %dma_start3A = arith.constant 0 : i32
    %dma_start3A_5 = tpu.memref_slice %arg3[%add3A_4, %dma_start3A] : memref<8192x1024xf32, #tpu.memory_space<hbm>> -> memref<8x1024xf32, #tpu.memory_space<hbm>>
    %dma_start3A_6 = arith.constant 0 : i32
    %dma_start3A_7 = tpu.memref_slice %arg3[%add3A_4, %dma_start3A_6] : memref<8192x1024xf32, #tpu.memory_space<hbm>> -> memref<8x1024xf32, #tpu.memory_space<hbm>>
    tpu.enqueue_dma source(%dma_start3A_7 : memref<8x1024xf32, #tpu.memory_space<hbm>>) target(%arg17 : memref<8x1024xf32, #tpu.memory_space<vmem>>) target_semaphore(%arg20 : memref<!tpu.dma_semaphore, #tpu.memory_space<semaphore_mem>>)
    %add3A_8 = arith.constant 0 : i32
    %add3A_9 = arith.addi %mul3A_2, %add3A_8 : i32
    %dma_start3A_10 = arith.constant 0 : i32
    %dma_start3A_11 = arith.constant 0 : i32
    %dma_start3A_12 = tpu.memref_slice %arg2[%dma_start3A_10, %add3A_9, %dma_start3A_11] : memref<4x8192x1024xf32, #tpu.memory_space<hbm>> -> memref<1x8x1024xf32, #tpu.memory_space<hbm>>
    %dma_start3A_13 = tpu.memref_squeeze %dma_start3A_12 : memref<1x8x1024xf32, #tpu.memory_space<hbm>> -> memref<8x1024xf32, #tpu.memory_space<hbm>>
    %dma_start3A_14 = arith.constant 0 : i32
    %dma_start3A_15 = tpu.memref_slice %arg2[%dma_start3A_10, %add3A_9, %dma_start3A_14] : memref<4x8192x1024xf32, #tpu.memory_space<hbm>> -> memref<1x8x1024xf32, #tpu.memory_space<hbm>>
    %dma_start3A_16 = tpu.memref_squeeze %dma_start3A_15 : memref<1x8x1024xf32, #tpu.memory_space<hbm>> -> memref<8x1024xf32, #tpu.memory_space<hbm>>
    tpu.enqueue_dma source(%dma_start3A_16 : memref<8x1024xf32, #tpu.memory_space<hbm>>) target(%arg5 : memref<8x1024xf32, #tpu.memory_space<vmem>>) target_semaphore(%arg22 : memref<!tpu.dma_semaphore, #tpu.memory_space<semaphore_mem>>)
    %add3A_17 = arith.constant 0 : i32
    %add3A_18 = arith.addi %mul3A_2, %add3A_17 : i32
    %dma_start3A_19 = arith.constant 1 : i32
    %dma_start3A_20 = arith.constant 0 : i32
    %dma_start3A_21 = tpu.memref_slice %arg2[%dma_start3A_19, %add3A_18, %dma_start3A_20] : memref<4x8192x1024xf32, #tpu.memory_space<hbm>> -> memref<1x8x1024xf32, #tpu.memory_space<hbm>>
    %dma_start3A_22 = tpu.memref_squeeze %dma_start3A_21 : memref<1x8x1024xf32, #tpu.memory_space<hbm>> -> memref<8x1024xf32, #tpu.memory_space<hbm>>
    %dma_start3A_23 = arith.constant 0 : i32
    %dma_start3A_24 = tpu.memref_slice %arg2[%dma_start3A_19, %add3A_18, %dma_start3A_23] : memref<4x8192x1024xf32, #tpu.memory_space<hbm>> -> memref<1x8x1024xf32, #tpu.memory_space<hbm>>
    %dma_start3A_25 = tpu.memref_squeeze %dma_start3A_24 : memref<1x8x1024xf32, #tpu.memory_space<hbm>> -> memref<8x1024xf32, #tpu.memory_space<hbm>>
    tpu.enqueue_dma source(%dma_start3A_25 : memref<8x1024xf32, #tpu.memory_space<hbm>>) target(%arg6 : memref<8x1024xf32, #tpu.memory_space<vmem>>) target_semaphore(%arg22 : memref<!tpu.dma_semaphore, #tpu.memory_space<semaphore_mem>>)
    %add3A_26 = arith.constant 0 : i32
    %add3A_27 = arith.addi %mul3A_2, %add3A_26 : i32
    %dma_start3A_28 = arith.constant 2 : i32
    %dma_start3A_29 = arith.constant 0 : i32
    %dma_start3A_30 = tpu.memref_slice %arg2[%dma_start3A_28, %add3A_27, %dma_start3A_29] : memref<4x8192x1024xf32, #tpu.memory_space<hbm>> -> memref<1x8x1024xf32, #tpu.memory_space<hbm>>
    %dma_start3A_31 = tpu.memref_squeeze %dma_start3A_30 : memref<1x8x1024xf32, #tpu.memory_space<hbm>> -> memref<8x1024xf32, #tpu.memory_space<hbm>>
    %dma_start3A_32 = arith.constant 0 : i32
    %dma_start3A_33 = tpu.memref_slice %arg2[%dma_start3A_28, %add3A_27, %dma_start3A_32] : memref<4x8192x1024xf32, #tpu.memory_space<hbm>> -> memref<1x8x1024xf32, #tpu.memory_space<hbm>>
    %dma_start3A_34 = tpu.memref_squeeze %dma_start3A_33 : memref<1x8x1024xf32, #tpu.memory_space<hbm>> -> memref<8x1024xf32, #tpu.memory_space<hbm>>
    tpu.enqueue_dma source(%dma_start3A_34 : memref<8x1024xf32, #tpu.memory_space<hbm>>) target(%arg7 : memref<8x1024xf32, #tpu.memory_space<vmem>>) target_semaphore(%arg22 : memref<!tpu.dma_semaphore, #tpu.memory_space<semaphore_mem>>)
    %add3A_35 = arith.constant 0 : i32
    %add3A_36 = arith.addi %mul3A_2, %add3A_35 : i32
    %dma_start3A_37 = arith.constant 3 : i32
    %dma_start3A_38 = arith.constant 0 : i32
    %dma_start3A_39 = tpu.memref_slice %arg2[%dma_start3A_37, %add3A_36, %dma_start3A_38] : memref<4x8192x1024xf32, #tpu.memory_space<hbm>> -> memref<1x8x1024xf32, #tpu.memory_space<hbm>>
    %dma_start3A_40 = tpu.memref_squeeze %dma_start3A_39 : memref<1x8x1024xf32, #tpu.memory_space<hbm>> -> memref<8x1024xf32, #tpu.memory_space<hbm>>
    %dma_start3A_41 = arith.constant 0 : i32
    %dma_start3A_42 = tpu.memref_slice %arg2[%dma_start3A_37, %add3A_36, %dma_start3A_41] : memref<4x8192x1024xf32, #tpu.memory_space<hbm>> -> memref<1x8x1024xf32, #tpu.memory_space<hbm>>
    %dma_start3A_43 = tpu.memref_squeeze %dma_start3A_42 : memref<1x8x1024xf32, #tpu.memory_space<hbm>> -> memref<8x1024xf32, #tpu.memory_space<hbm>>
    tpu.enqueue_dma source(%dma_start3A_43 : memref<8x1024xf32, #tpu.memory_space<hbm>>) target(%arg8 : memref<8x1024xf32, #tpu.memory_space<vmem>>) target_semaphore(%arg22 : memref<!tpu.dma_semaphore, #tpu.memory_space<semaphore_mem>>)
    %scan3A = arith.constant 0 : i32
    %scan3A_44 = arith.constant 0 : i32
    %scan3A_45 = arith.constant 16 : i32
    %scan3A_46 = arith.addi %scan3A_44, %scan3A_45 : i32
    %scan3A_47 = arith.constant 1 : i32
    %scan3A_48 = scf.for %scan3A_86 = %scan3A_44 to %scan3A_46 step %scan3A_47 iter_args(%scan3A_87 = %scan3A) -> (i32)  : i32 {
      %mul3A_88 = arith.constant 2 : i32
      %mul3A_89 = arith.muli %scan3A_86, %mul3A_88 : i32
      %gt3A = arith.constant 0 : i32
      %gt3A_90 = arith.cmpi sgt, %scan3A_86, %gt3A : i32
      %mul3A_91 = arith.constant 8 : i32
      %mul3A_92 = arith.muli %mul3A_89, %mul3A_91 : i32
      %add3A_93 = arith.addi %mul3A_2, %mul3A_92 : i32
      %dma_wait3A_94 = arith.constant 0 : i32
      %dma_wait3A_95 = tpu.memref_slice %arg3[%add3A_93, %dma_wait3A_94] : memref<8192x1024xf32, #tpu.memory_space<hbm>> -> memref<8x1024xf32, #tpu.memory_space<hbm>>
      %dma_wait3A_96 = arith.constant 0 : i32
      %dma_wait3A_97 = tpu.memref_slice %arg3[%add3A_93, %dma_wait3A_96] : memref<8192x1024xf32, #tpu.memory_space<hbm>> -> memref<8x1024xf32, #tpu.memory_space<hbm>>
      tpu.wait_dma2 semaphore(%arg20 : memref<!tpu.dma_semaphore, #tpu.memory_space<semaphore_mem>>) src(%dma_wait3A_97 : memref<8x1024xf32, #tpu.memory_space<hbm>>) dst(%arg17 : memref<8x1024xf32, #tpu.memory_space<vmem>>)
      %add3A_98 = arith.constant 1 : i32
      %add3A_99 = arith.addi %mul3A_89, %add3A_98 : i32
      %mul3A_100 = arith.constant 8 : i32
      %mul3A_101 = arith.muli %add3A_99, %mul3A_100 : i32
      %add3A_102 = arith.addi %mul3A_2, %mul3A_101 : i32
      %dma_start3A_103 = arith.constant 0 : i32
      %dma_start3A_104 = tpu.memref_slice %arg3[%add3A_102, %dma_start3A_103] : memref<8192x1024xf32, #tpu.memory_space<hbm>> -> memref<8x1024xf32, #tpu.memory_space<hbm>>
      %dma_start3A_105 = arith.constant 0 : i32
      %dma_start3A_106 = tpu.memref_slice %arg3[%add3A_102, %dma_start3A_105] : memref<8192x1024xf32, #tpu.memory_space<hbm>> -> memref<8x1024xf32, #tpu.memory_space<hbm>>
      tpu.enqueue_dma source(%dma_start3A_106 : memref<8x1024xf32, #tpu.memory_space<hbm>>) target(%arg18 : memref<8x1024xf32, #tpu.memory_space<vmem>>) target_semaphore(%arg21 : memref<!tpu.dma_semaphore, #tpu.memory_space<semaphore_mem>>)
      %add3A_107 = arith.constant 1 : i32
      %add3A_108 = arith.addi %mul3A_89, %add3A_107 : i32
      %mul3A_109 = arith.constant 8 : i32
      %mul3A_110 = arith.muli %add3A_108, %mul3A_109 : i32
      %add3A_111 = arith.addi %mul3A_2, %mul3A_110 : i32
      %dma_start3A_112 = arith.constant 0 : i32
      %dma_start3A_113 = arith.constant 0 : i32
      %dma_start3A_114 = tpu.memref_slice %arg2[%dma_start3A_112, %add3A_111, %dma_start3A_113] : memref<4x8192x1024xf32, #tpu.memory_space<hbm>> -> memref<1x8x1024xf32, #tpu.memory_space<hbm>>
      %dma_start3A_115 = tpu.memref_squeeze %dma_start3A_114 : memref<1x8x1024xf32, #tpu.memory_space<hbm>> -> memref<8x1024xf32, #tpu.memory_space<hbm>>
      %dma_start3A_116 = arith.constant 0 : i32
      %dma_start3A_117 = tpu.memref_slice %arg2[%dma_start3A_112, %add3A_111, %dma_start3A_116] : memref<4x8192x1024xf32, #tpu.memory_space<hbm>> -> memref<1x8x1024xf32, #tpu.memory_space<hbm>>
      %dma_start3A_118 = tpu.memref_squeeze %dma_start3A_117 : memref<1x8x1024xf32, #tpu.memory_space<hbm>> -> memref<8x1024xf32, #tpu.memory_space<hbm>>
      tpu.enqueue_dma source(%dma_start3A_118 : memref<8x1024xf32, #tpu.memory_space<hbm>>) target(%arg9 : memref<8x1024xf32, #tpu.memory_space<vmem>>) target_semaphore(%arg23 : memref<!tpu.dma_semaphore, #tpu.memory_space<semaphore_mem>>)
      %add3A_119 = arith.constant 1 : i32
      %add3A_120 = arith.addi %mul3A_89, %add3A_119 : i32
      %mul3A_121 = arith.constant 8 : i32
      %mul3A_122 = arith.muli %add3A_120, %mul3A_121 : i32
      %add3A_123 = arith.addi %mul3A_2, %mul3A_122 : i32
      %dma_start3A_124 = arith.constant 1 : i32
      %dma_start3A_125 = arith.constant 0 : i32
      %dma_start3A_126 = tpu.memref_slice %arg2[%dma_start3A_124, %add3A_123, %dma_start3A_125] : memref<4x8192x1024xf32, #tpu.memory_space<hbm>> -> memref<1x8x1024xf32, #tpu.memory_space<hbm>>
      %dma_start3A_127 = tpu.memref_squeeze %dma_start3A_126 : memref<1x8x1024xf32, #tpu.memory_space<hbm>> -> memref<8x1024xf32, #tpu.memory_space<hbm>>
      %dma_start3A_128 = arith.constant 0 : i32
      %dma_start3A_129 = tpu.memref_slice %arg2[%dma_start3A_124, %add3A_123, %dma_start3A_128] : memref<4x8192x1024xf32, #tpu.memory_space<hbm>> -> memref<1x8x1024xf32, #tpu.memory_space<hbm>>
      %dma_start3A_130 = tpu.memref_squeeze %dma_start3A_129 : memref<1x8x1024xf32, #tpu.memory_space<hbm>> -> memref<8x1024xf32, #tpu.memory_space<hbm>>
      tpu.enqueue_dma source(%dma_start3A_130 : memref<8x1024xf32, #tpu.memory_space<hbm>>) target(%arg10 : memref<8x1024xf32, #tpu.memory_space<vmem>>) target_semaphore(%arg23 : memref<!tpu.dma_semaphore, #tpu.memory_space<semaphore_mem>>)
      %add3A_131 = arith.constant 1 : i32
      %add3A_132 = arith.addi %mul3A_89, %add3A_131 : i32
      %mul3A_133 = arith.constant 8 : i32
      %mul3A_134 = arith.muli %add3A_132, %mul3A_133 : i32
      %add3A_135 = arith.addi %mul3A_2, %mul3A_134 : i32
      %dma_start3A_136 = arith.constant 2 : i32
      %dma_start3A_137 = arith.constant 0 : i32
      %dma_start3A_138 = tpu.memref_slice %arg2[%dma_start3A_136, %add3A_135, %dma_start3A_137] : memref<4x8192x1024xf32, #tpu.memory_space<hbm>> -> memref<1x8x1024xf32, #tpu.memory_space<hbm>>
      %dma_start3A_139 = tpu.memref_squeeze %dma_start3A_138 : memref<1x8x1024xf32, #tpu.memory_space<hbm>> -> memref<8x1024xf32, #tpu.memory_space<hbm>>
      %dma_start3A_140 = arith.constant 0 : i32
      %dma_start3A_141 = tpu.memref_slice %arg2[%dma_start3A_136, %add3A_135, %dma_start3A_140] : memref<4x8192x1024xf32, #tpu.memory_space<hbm>> -> memref<1x8x1024xf32, #tpu.memory_space<hbm>>
      %dma_start3A_142 = tpu.memref_squeeze %dma_start3A_141 : memref<1x8x1024xf32, #tpu.memory_space<hbm>> -> memref<8x1024xf32, #tpu.memory_space<hbm>>
      tpu.enqueue_dma source(%dma_start3A_142 : memref<8x1024xf32, #tpu.memory_space<hbm>>) target(%arg11 : memref<8x1024xf32, #tpu.memory_space<vmem>>) target_semaphore(%arg23 : memref<!tpu.dma_semaphore, #tpu.memory_space<semaphore_mem>>)
      %add3A_143 = arith.constant 1 : i32
      %add3A_144 = arith.addi %mul3A_89, %add3A_143 : i32
      %mul3A_145 = arith.constant 8 : i32
      %mul3A_146 = arith.muli %add3A_144, %mul3A_145 : i32
      %add3A_147 = arith.addi %mul3A_2, %mul3A_146 : i32
      %dma_start3A_148 = arith.constant 3 : i32
      %dma_start3A_149 = arith.constant 0 : i32
      %dma_start3A_150 = tpu.memref_slice %arg2[%dma_start3A_148, %add3A_147, %dma_start3A_149] : memref<4x8192x1024xf32, #tpu.memory_space<hbm>> -> memref<1x8x1024xf32, #tpu.memory_space<hbm>>
      %dma_start3A_151 = tpu.memref_squeeze %dma_start3A_150 : memref<1x8x1024xf32, #tpu.memory_space<hbm>> -> memref<8x1024xf32, #tpu.memory_space<hbm>>
      %dma_start3A_152 = arith.constant 0 : i32
      %dma_start3A_153 = tpu.memref_slice %arg2[%dma_start3A_148, %add3A_147, %dma_start3A_152] : memref<4x8192x1024xf32, #tpu.memory_space<hbm>> -> memref<1x8x1024xf32, #tpu.memory_space<hbm>>
      %dma_start3A_154 = tpu.memref_squeeze %dma_start3A_153 : memref<1x8x1024xf32, #tpu.memory_space<hbm>> -> memref<8x1024xf32, #tpu.memory_space<hbm>>
      tpu.enqueue_dma source(%dma_start3A_154 : memref<8x1024xf32, #tpu.memory_space<hbm>>) target(%arg12 : memref<8x1024xf32, #tpu.memory_space<vmem>>) target_semaphore(%arg23 : memref<!tpu.dma_semaphore, #tpu.memory_space<semaphore_mem>>)
      %mul3A_155 = arith.constant 8 : i32
      %mul3A_156 = arith.muli %mul3A_89, %mul3A_155 : i32
      %add3A_157 = arith.addi %mul3A_2, %mul3A_156 : i32
      %dma_wait3A_158 = arith.constant 0 : i32
      %dma_wait3A_159 = arith.constant 0 : i32
      %dma_wait3A_160 = tpu.memref_slice %arg2[%dma_wait3A_158, %add3A_157, %dma_wait3A_159] : memref<4x8192x1024xf32, #tpu.memory_space<hbm>> -> memref<1x8x1024xf32, #tpu.memory_space<hbm>>
      %dma_wait3A_161 = tpu.memref_squeeze %dma_wait3A_160 : memref<1x8x1024xf32, #tpu.memory_space<hbm>> -> memref<8x1024xf32, #tpu.memory_space<hbm>>
      %dma_wait3A_162 = arith.constant 0 : i32
      %dma_wait3A_163 = tpu.memref_slice %arg2[%dma_wait3A_158, %add3A_157, %dma_wait3A_162] : memref<4x8192x1024xf32, #tpu.memory_space<hbm>> -> memref<1x8x1024xf32, #tpu.memory_space<hbm>>
      %dma_wait3A_164 = tpu.memref_squeeze %dma_wait3A_163 : memref<1x8x1024xf32, #tpu.memory_space<hbm>> -> memref<8x1024xf32, #tpu.memory_space<hbm>>
      tpu.wait_dma2 semaphore(%arg22 : memref<!tpu.dma_semaphore, #tpu.memory_space<semaphore_mem>>) src(%dma_wait3A_164 : memref<8x1024xf32, #tpu.memory_space<hbm>>) dst(%arg5 : memref<8x1024xf32, #tpu.memory_space<vmem>>)
      %mul3A_165 = arith.constant 8 : i32
      %mul3A_166 = arith.muli %mul3A_89, %mul3A_165 : i32
      %add3A_167 = arith.addi %mul3A_2, %mul3A_166 : i32
      %dma_wait3A_168 = arith.constant 1 : i32
      %dma_wait3A_169 = arith.constant 0 : i32
      %dma_wait3A_170 = tpu.memref_slice %arg2[%dma_wait3A_168, %add3A_167, %dma_wait3A_169] : memref<4x8192x1024xf32, #tpu.memory_space<hbm>> -> memref<1x8x1024xf32, #tpu.memory_space<hbm>>
      %dma_wait3A_171 = tpu.memref_squeeze %dma_wait3A_170 : memref<1x8x1024xf32, #tpu.memory_space<hbm>> -> memref<8x1024xf32, #tpu.memory_space<hbm>>
      %dma_wait3A_172 = arith.constant 0 : i32
      %dma_wait3A_173 = tpu.memref_slice %arg2[%dma_wait3A_168, %add3A_167, %dma_wait3A_172] : memref<4x8192x1024xf32, #tpu.memory_space<hbm>> -> memref<1x8x1024xf32, #tpu.memory_space<hbm>>
      %dma_wait3A_174 = tpu.memref_squeeze %dma_wait3A_173 : memref<1x8x1024xf32, #tpu.memory_space<hbm>> -> memref<8x1024xf32, #tpu.memory_space<hbm>>
      tpu.wait_dma2 semaphore(%arg22 : memref<!tpu.dma_semaphore, #tpu.memory_space<semaphore_mem>>) src(%dma_wait3A_174 : memref<8x1024xf32, #tpu.memory_space<hbm>>) dst(%arg6 : memref<8x1024xf32, #tpu.memory_space<vmem>>)
      %convert_element_type3A = arith.extui %gt3A_90 : i1 to i32
      %cond3A = arith.constant 0 : i32
      %cond3A_175 = arith.cmpi ne, %convert_element_type3A, %cond3A : i32
      scf.if %cond3A_175 {
        %sub3A_388 = arith.constant 1 : i32
        %sub3A_389 = arith.subi %mul3A_89, %sub3A_388 : i32
        %mul3A_390 = arith.constant 8 : i32
        %mul3A_391 = arith.muli %sub3A_389, %mul3A_390 : i32
        %add3A_392 = arith.addi %mul3A_2, %mul3A_391 : i32
        %dma_wait3A_393 = arith.constant 0 : i32
        %dma_wait3A_394 = arith.constant 0 : i32
        %dma_wait3A_395 = tpu.memref_slice %arg4[%dma_wait3A_393, %add3A_392, %dma_wait3A_394] : memref<4x8192x1024xf32, #tpu.memory_space<hbm>> -> memref<1x8x1024xf32, #tpu.memory_space<hbm>>
        %dma_wait3A_396 = tpu.memref_squeeze %dma_wait3A_395 : memref<1x8x1024xf32, #tpu.memory_space<hbm>> -> memref<8x1024xf32, #tpu.memory_space<hbm>>
        %dma_wait3A_397 = arith.constant 0 : i32
        %dma_wait3A_398 = tpu.memref_slice %arg4[%dma_wait3A_393, %add3A_392, %dma_wait3A_397] : memref<4x8192x1024xf32, #tpu.memory_space<hbm>> -> memref<1x8x1024xf32, #tpu.memory_space<hbm>>
        %dma_wait3A_399 = tpu.memref_squeeze %dma_wait3A_398 : memref<1x8x1024xf32, #tpu.memory_space<hbm>> -> memref<8x1024xf32, #tpu.memory_space<hbm>>
        tpu.wait_dma2 semaphore(%arg24 : memref<!tpu.dma_semaphore, #tpu.memory_space<semaphore_mem>>) src(%arg13 : memref<8x1024xf32, #tpu.memory_space<vmem>>) dst(%dma_wait3A_399 : memref<8x1024xf32, #tpu.memory_space<hbm>>)
        %sub3A_400 = arith.constant 1 : i32
        %sub3A_401 = arith.subi %mul3A_89, %sub3A_400 : i32
        %mul3A_402 = arith.constant 8 : i32
        %mul3A_403 = arith.muli %sub3A_401, %mul3A_402 : i32
        %add3A_404 = arith.addi %mul3A_2, %mul3A_403 : i32
        %dma_wait3A_405 = arith.constant 1 : i32
        %dma_wait3A_406 = arith.constant 0 : i32
        %dma_wait3A_407 = tpu.memref_slice %arg4[%dma_wait3A_405, %add3A_404, %dma_wait3A_406] : memref<4x8192x1024xf32, #tpu.memory_space<hbm>> -> memref<1x8x1024xf32, #tpu.memory_space<hbm>>
        %dma_wait3A_408 = tpu.memref_squeeze %dma_wait3A_407 : memref<1x8x1024xf32, #tpu.memory_space<hbm>> -> memref<8x1024xf32, #tpu.memory_space<hbm>>
        %dma_wait3A_409 = arith.constant 0 : i32
        %dma_wait3A_410 = arith.constant 0 : i32
        %dma_wait3A_411 = tpu.memref_slice %arg19[%arg1, %dma_wait3A_409, %dma_wait3A_410] : memref<16x8x1024xf32, #tpu.memory_space<vmem_shared>> -> memref<1x8x1024xf32, #tpu.memory_space<vmem_shared>>
        %dma_wait3A_412 = tpu.memref_squeeze %dma_wait3A_411 : memref<1x8x1024xf32, #tpu.memory_space<vmem_shared>> -> memref<8x1024xf32, #tpu.memory_space<vmem_shared>>
        tpu.wait_dma2 semaphore(%arg26 : memref<!tpu.dma_semaphore, #tpu.memory_space<semaphore_mem>>) src(%dma_wait3A_412 : memref<8x1024xf32, #tpu.memory_space<vmem_shared>>) dst(%dma_wait3A_408 : memref<8x1024xf32, #tpu.memory_space<hbm>>)
      } else {
      }
      %mul3A_176 = arith.constant 8 : i32
      %mul3A_177 = arith.muli %mul3A_89, %mul3A_176 : i32
      %add3A_178 = arith.addi %mul3A_2, %mul3A_177 : i32
      %dma_start3A_179 = arith.constant 0 : i32
      %dma_start3A_180 = arith.constant 0 : i32
      %dma_start3A_181 = tpu.memref_slice %arg4[%dma_start3A_179, %add3A_178, %dma_start3A_180] : memref<4x8192x1024xf32, #tpu.memory_space<hbm>> -> memref<1x8x1024xf32, #tpu.memory_space<hbm>>
      %dma_start3A_182 = tpu.memref_squeeze %dma_start3A_181 : memref<1x8x1024xf32, #tpu.memory_space<hbm>> -> memref<8x1024xf32, #tpu.memory_space<hbm>>
      %dma_start3A_183 = arith.constant 0 : i32
      %dma_start3A_184 = tpu.memref_slice %arg4[%dma_start3A_179, %add3A_178, %dma_start3A_183] : memref<4x8192x1024xf32, #tpu.memory_space<hbm>> -> memref<1x8x1024xf32, #tpu.memory_space<hbm>>
      %dma_start3A_185 = tpu.memref_squeeze %dma_start3A_184 : memref<1x8x1024xf32, #tpu.memory_space<hbm>> -> memref<8x1024xf32, #tpu.memory_space<hbm>>
      tpu.enqueue_dma source(%arg13 : memref<8x1024xf32, #tpu.memory_space<vmem>>) target(%dma_start3A_185 : memref<8x1024xf32, #tpu.memory_space<hbm>>) target_semaphore(%arg24 : memref<!tpu.dma_semaphore, #tpu.memory_space<semaphore_mem>>)
      %mul3A_186 = arith.constant 8 : i32
      %mul3A_187 = arith.muli %mul3A_89, %mul3A_186 : i32
      %add3A_188 = arith.addi %mul3A_2, %mul3A_187 : i32
      %dma_start3A_189 = arith.constant 1 : i32
      %dma_start3A_190 = arith.constant 0 : i32
      %dma_start3A_191 = tpu.memref_slice %arg4[%dma_start3A_189, %add3A_188, %dma_start3A_190] : memref<4x8192x1024xf32, #tpu.memory_space<hbm>> -> memref<1x8x1024xf32, #tpu.memory_space<hbm>>
      %dma_start3A_192 = tpu.memref_squeeze %dma_start3A_191 : memref<1x8x1024xf32, #tpu.memory_space<hbm>> -> memref<8x1024xf32, #tpu.memory_space<hbm>>
      %dma_start3A_193 = arith.constant 0 : i32
      %dma_start3A_194 = arith.constant 0 : i32
      %dma_start3A_195 = tpu.memref_slice %arg19[%arg1, %dma_start3A_193, %dma_start3A_194] : memref<16x8x1024xf32, #tpu.memory_space<vmem_shared>> -> memref<1x8x1024xf32, #tpu.memory_space<vmem_shared>>
      %dma_start3A_196 = tpu.memref_squeeze %dma_start3A_195 : memref<1x8x1024xf32, #tpu.memory_space<vmem_shared>> -> memref<8x1024xf32, #tpu.memory_space<vmem_shared>>
      tpu.enqueue_dma source(%dma_start3A_196 : memref<8x1024xf32, #tpu.memory_space<vmem_shared>>) target(%dma_start3A_192 : memref<8x1024xf32, #tpu.memory_space<hbm>>) target_semaphore(%arg26 : memref<!tpu.dma_semaphore, #tpu.memory_space<semaphore_mem>>)
      %mul3A_197 = arith.constant 8 : i32
      %mul3A_198 = arith.muli %mul3A_89, %mul3A_197 : i32
      %add3A_199 = arith.addi %mul3A_2, %mul3A_198 : i32
      %dma_wait3A_200 = arith.constant 2 : i32
      %dma_wait3A_201 = arith.constant 0 : i32
      %dma_wait3A_202 = tpu.memref_slice %arg2[%dma_wait3A_200, %add3A_199, %dma_wait3A_201] : memref<4x8192x1024xf32, #tpu.memory_space<hbm>> -> memref<1x8x1024xf32, #tpu.memory_space<hbm>>
      %dma_wait3A_203 = tpu.memref_squeeze %dma_wait3A_202 : memref<1x8x1024xf32, #tpu.memory_space<hbm>> -> memref<8x1024xf32, #tpu.memory_space<hbm>>
      %dma_wait3A_204 = arith.constant 0 : i32
      %dma_wait3A_205 = tpu.memref_slice %arg2[%dma_wait3A_200, %add3A_199, %dma_wait3A_204] : memref<4x8192x1024xf32, #tpu.memory_space<hbm>> -> memref<1x8x1024xf32, #tpu.memory_space<hbm>>
      %dma_wait3A_206 = tpu.memref_squeeze %dma_wait3A_205 : memref<1x8x1024xf32, #tpu.memory_space<hbm>> -> memref<8x1024xf32, #tpu.memory_space<hbm>>
      tpu.wait_dma2 semaphore(%arg22 : memref<!tpu.dma_semaphore, #tpu.memory_space<semaphore_mem>>) src(%dma_wait3A_206 : memref<8x1024xf32, #tpu.memory_space<hbm>>) dst(%arg7 : memref<8x1024xf32, #tpu.memory_space<vmem>>)
      %mul3A_207 = arith.constant 8 : i32
      %mul3A_208 = arith.muli %mul3A_89, %mul3A_207 : i32
      %add3A_209 = arith.addi %mul3A_2, %mul3A_208 : i32
      %dma_wait3A_210 = arith.constant 3 : i32
      %dma_wait3A_211 = arith.constant 0 : i32
      %dma_wait3A_212 = tpu.memref_slice %arg2[%dma_wait3A_210, %add3A_209, %dma_wait3A_211] : memref<4x8192x1024xf32, #tpu.memory_space<hbm>> -> memref<1x8x1024xf32, #tpu.memory_space<hbm>>
      %dma_wait3A_213 = tpu.memref_squeeze %dma_wait3A_212 : memref<1x8x1024xf32, #tpu.memory_space<hbm>> -> memref<8x1024xf32, #tpu.memory_space<hbm>>
      %dma_wait3A_214 = arith.constant 0 : i32
      %dma_wait3A_215 = tpu.memref_slice %arg2[%dma_wait3A_210, %add3A_209, %dma_wait3A_214] : memref<4x8192x1024xf32, #tpu.memory_space<hbm>> -> memref<1x8x1024xf32, #tpu.memory_space<hbm>>
      %dma_wait3A_216 = tpu.memref_squeeze %dma_wait3A_215 : memref<1x8x1024xf32, #tpu.memory_space<hbm>> -> memref<8x1024xf32, #tpu.memory_space<hbm>>
      tpu.wait_dma2 semaphore(%arg22 : memref<!tpu.dma_semaphore, #tpu.memory_space<semaphore_mem>>) src(%dma_wait3A_216 : memref<8x1024xf32, #tpu.memory_space<hbm>>) dst(%arg8 : memref<8x1024xf32, #tpu.memory_space<vmem>>)
      %convert_element_type3A_217 = arith.extui %gt3A_90 : i1 to i32
      %cond3A_218 = arith.constant 0 : i32
      %cond3A_219 = arith.cmpi ne, %convert_element_type3A_217, %cond3A_218 : i32
      scf.if %cond3A_219 {
        %sub3A_388 = arith.constant 1 : i32
        %sub3A_389 = arith.subi %mul3A_89, %sub3A_388 : i32
        %mul3A_390 = arith.constant 8 : i32
        %mul3A_391 = arith.muli %sub3A_389, %mul3A_390 : i32
        %add3A_392 = arith.addi %mul3A_2, %mul3A_391 : i32
        %dma_wait3A_393 = arith.constant 2 : i32
        %dma_wait3A_394 = arith.constant 0 : i32
        %dma_wait3A_395 = tpu.memref_slice %arg4[%dma_wait3A_393, %add3A_392, %dma_wait3A_394] : memref<4x8192x1024xf32, #tpu.memory_space<hbm>> -> memref<1x8x1024xf32, #tpu.memory_space<hbm>>
        %dma_wait3A_396 = tpu.memref_squeeze %dma_wait3A_395 : memref<1x8x1024xf32, #tpu.memory_space<hbm>> -> memref<8x1024xf32, #tpu.memory_space<hbm>>
        %dma_wait3A_397 = arith.constant 0 : i32
        %dma_wait3A_398 = tpu.memref_slice %arg4[%dma_wait3A_393, %add3A_392, %dma_wait3A_397] : memref<4x8192x1024xf32, #tpu.memory_space<hbm>> -> memref<1x8x1024xf32, #tpu.memory_space<hbm>>
        %dma_wait3A_399 = tpu.memref_squeeze %dma_wait3A_398 : memref<1x8x1024xf32, #tpu.memory_space<hbm>> -> memref<8x1024xf32, #tpu.memory_space<hbm>>
        tpu.wait_dma2 semaphore(%arg25 : memref<!tpu.dma_semaphore, #tpu.memory_space<semaphore_mem>>) src(%arg15 : memref<8x1024xf32, #tpu.memory_space<vmem>>) dst(%dma_wait3A_399 : memref<8x1024xf32, #tpu.memory_space<hbm>>)
        %sub3A_400 = arith.constant 1 : i32
        %sub3A_401 = arith.subi %mul3A_89, %sub3A_400 : i32
        %mul3A_402 = arith.constant 8 : i32
        %mul3A_403 = arith.muli %sub3A_401, %mul3A_402 : i32
        %add3A_404 = arith.addi %mul3A_2, %mul3A_403 : i32
        %dma_wait3A_405 = arith.constant 3 : i32
        %dma_wait3A_406 = arith.constant 0 : i32
        %dma_wait3A_407 = tpu.memref_slice %arg4[%dma_wait3A_405, %add3A_404, %dma_wait3A_406] : memref<4x8192x1024xf32, #tpu.memory_space<hbm>> -> memref<1x8x1024xf32, #tpu.memory_space<hbm>>
        %dma_wait3A_408 = tpu.memref_squeeze %dma_wait3A_407 : memref<1x8x1024xf32, #tpu.memory_space<hbm>> -> memref<8x1024xf32, #tpu.memory_space<hbm>>
        %dma_wait3A_409 = arith.constant 0 : i32
        %dma_wait3A_410 = tpu.memref_slice %arg4[%dma_wait3A_405, %add3A_404, %dma_wait3A_409] : memref<4x8192x1024xf32, #tpu.memory_space<hbm>> -> memref<1x8x1024xf32, #tpu.memory_space<hbm>>
        %dma_wait3A_411 = tpu.memref_squeeze %dma_wait3A_410 : memref<1x8x1024xf32, #tpu.memory_space<hbm>> -> memref<8x1024xf32, #tpu.memory_space<hbm>>
        tpu.wait_dma2 semaphore(%arg25 : memref<!tpu.dma_semaphore, #tpu.memory_space<semaphore_mem>>) src(%arg16 : memref<8x1024xf32, #tpu.memory_space<vmem>>) dst(%dma_wait3A_411 : memref<8x1024xf32, #tpu.memory_space<hbm>>)
      } else {
      }
      %mul3A_220 = arith.constant 8 : i32
      %mul3A_221 = arith.muli %mul3A_89, %mul3A_220 : i32
      %add3A_222 = arith.addi %mul3A_2, %mul3A_221 : i32
      %dma_start3A_223 = arith.constant 2 : i32
      %dma_start3A_224 = arith.constant 0 : i32
      %dma_start3A_225 = tpu.memref_slice %arg4[%dma_start3A_223, %add3A_222, %dma_start3A_224] : memref<4x8192x1024xf32, #tpu.memory_space<hbm>> -> memref<1x8x1024xf32, #tpu.memory_space<hbm>>
      %dma_start3A_226 = tpu.memref_squeeze %dma_start3A_225 : memref<1x8x1024xf32, #tpu.memory_space<hbm>> -> memref<8x1024xf32, #tpu.memory_space<hbm>>
      %dma_start3A_227 = arith.constant 0 : i32
      %dma_start3A_228 = tpu.memref_slice %arg4[%dma_start3A_223, %add3A_222, %dma_start3A_227] : memref<4x8192x1024xf32, #tpu.memory_space<hbm>> -> memref<1x8x1024xf32, #tpu.memory_space<hbm>>
      %dma_start3A_229 = tpu.memref_squeeze %dma_start3A_228 : memref<1x8x1024xf32, #tpu.memory_space<hbm>> -> memref<8x1024xf32, #tpu.memory_space<hbm>>
      tpu.enqueue_dma source(%arg15 : memref<8x1024xf32, #tpu.memory_space<vmem>>) target(%dma_start3A_229 : memref<8x1024xf32, #tpu.memory_space<hbm>>) target_semaphore(%arg25 : memref<!tpu.dma_semaphore, #tpu.memory_space<semaphore_mem>>)
      %mul3A_230 = arith.constant 8 : i32
      %mul3A_231 = arith.muli %mul3A_89, %mul3A_230 : i32
      %add3A_232 = arith.addi %mul3A_2, %mul3A_231 : i32
      %dma_start3A_233 = arith.constant 3 : i32
      %dma_start3A_234 = arith.constant 0 : i32
      %dma_start3A_235 = tpu.memref_slice %arg4[%dma_start3A_233, %add3A_232, %dma_start3A_234] : memref<4x8192x1024xf32, #tpu.memory_space<hbm>> -> memref<1x8x1024xf32, #tpu.memory_space<hbm>>
      %dma_start3A_236 = tpu.memref_squeeze %dma_start3A_235 : memref<1x8x1024xf32, #tpu.memory_space<hbm>> -> memref<8x1024xf32, #tpu.memory_space<hbm>>
      %dma_start3A_237 = arith.constant 0 : i32
      %dma_start3A_238 = tpu.memref_slice %arg4[%dma_start3A_233, %add3A_232, %dma_start3A_237] : memref<4x8192x1024xf32, #tpu.memory_space<hbm>> -> memref<1x8x1024xf32, #tpu.memory_space<hbm>>
      %dma_start3A_239 = tpu.memref_squeeze %dma_start3A_238 : memref<1x8x1024xf32, #tpu.memory_space<hbm>> -> memref<8x1024xf32, #tpu.memory_space<hbm>>
      tpu.enqueue_dma source(%arg16 : memref<8x1024xf32, #tpu.memory_space<vmem>>) target(%dma_start3A_239 : memref<8x1024xf32, #tpu.memory_space<hbm>>) target_semaphore(%arg25 : memref<!tpu.dma_semaphore, #tpu.memory_space<semaphore_mem>>)
      %add3A_240 = arith.constant 1 : i32
      %add3A_241 = arith.addi %mul3A_89, %add3A_240 : i32
      %lt3A = arith.constant 15 : i32
      %lt3A_242 = arith.cmpi slt, %scan3A_86, %lt3A : i32
      %lt3A_243 = arith.constant 15 : i32
      %lt3A_244 = arith.cmpi slt, %scan3A_86, %lt3A_243 : i32
      %mul3A_245 = arith.constant 8 : i32
      %mul3A_246 = arith.muli %add3A_241, %mul3A_245 : i32
      %add3A_247 = arith.addi %mul3A_2, %mul3A_246 : i32
      %dma_wait3A_248 = arith.constant 0 : i32
      %dma_wait3A_249 = tpu.memref_slice %arg3[%add3A_247, %dma_wait3A_248] : memref<8192x1024xf32, #tpu.memory_space<hbm>> -> memref<8x1024xf32, #tpu.memory_space<hbm>>
      %dma_wait3A_250 = arith.constant 0 : i32
      %dma_wait3A_251 = tpu.memref_slice %arg3[%add3A_247, %dma_wait3A_250] : memref<8192x1024xf32, #tpu.memory_space<hbm>> -> memref<8x1024xf32, #tpu.memory_space<hbm>>
      tpu.wait_dma2 semaphore(%arg21 : memref<!tpu.dma_semaphore, #tpu.memory_space<semaphore_mem>>) src(%dma_wait3A_251 : memref<8x1024xf32, #tpu.memory_space<hbm>>) dst(%arg18 : memref<8x1024xf32, #tpu.memory_space<vmem>>)
      %convert_element_type3A_252 = arith.extui %lt3A_242 : i1 to i32
      %cond3A_253 = arith.constant 0 : i32
      %cond3A_254 = arith.cmpi ne, %convert_element_type3A_252, %cond3A_253 : i32
      scf.if %cond3A_254 {
        %add3A_388 = arith.constant 1 : i32
        %add3A_389 = arith.addi %add3A_241, %add3A_388 : i32
        %mul3A_390 = arith.constant 8 : i32
        %mul3A_391 = arith.muli %add3A_389, %mul3A_390 : i32
        %add3A_392 = arith.addi %mul3A_2, %mul3A_391 : i32
        %dma_start3A_393 = arith.constant 0 : i32
        %dma_start3A_394 = tpu.memref_slice %arg3[%add3A_392, %dma_start3A_393] : memref<8192x1024xf32, #tpu.memory_space<hbm>> -> memref<8x1024xf32, #tpu.memory_space<hbm>>
        %dma_start3A_395 = arith.constant 0 : i32
        %dma_start3A_396 = tpu.memref_slice %arg3[%add3A_392, %dma_start3A_395] : memref<8192x1024xf32, #tpu.memory_space<hbm>> -> memref<8x1024xf32, #tpu.memory_space<hbm>>
        tpu.enqueue_dma source(%dma_start3A_396 : memref<8x1024xf32, #tpu.memory_space<hbm>>) target(%arg17 : memref<8x1024xf32, #tpu.memory_space<vmem>>) target_semaphore(%arg20 : memref<!tpu.dma_semaphore, #tpu.memory_space<semaphore_mem>>)
      } else {
      }
      %convert_element_type3A_255 = arith.extui %lt3A_244 : i1 to i32
      %cond3A_256 = arith.constant 0 : i32
      %cond3A_257 = arith.cmpi ne, %convert_element_type3A_255, %cond3A_256 : i32
      scf.if %cond3A_257 {
        %add3A_388 = arith.constant 1 : i32
        %add3A_389 = arith.addi %add3A_241, %add3A_388 : i32
        %mul3A_390 = arith.constant 8 : i32
        %mul3A_391 = arith.muli %add3A_389, %mul3A_390 : i32
        %add3A_392 = arith.addi %mul3A_2, %mul3A_391 : i32
        %dma_start3A_393 = arith.constant 0 : i32
        %dma_start3A_394 = arith.constant 0 : i32
        %dma_start3A_395 = tpu.memref_slice %arg2[%dma_start3A_393, %add3A_392, %dma_start3A_394] : memref<4x8192x1024xf32, #tpu.memory_space<hbm>> -> memref<1x8x1024xf32, #tpu.memory_space<hbm>>
        %dma_start3A_396 = tpu.memref_squeeze %dma_start3A_395 : memref<1x8x1024xf32, #tpu.memory_space<hbm>> -> memref<8x1024xf32, #tpu.memory_space<hbm>>
        %dma_start3A_397 = arith.constant 0 : i32
        %dma_start3A_398 = tpu.memref_slice %arg2[%dma_start3A_393, %add3A_392, %dma_start3A_397] : memref<4x8192x1024xf32, #tpu.memory_space<hbm>> -> memref<1x8x1024xf32, #tpu.memory_space<hbm>>
        %dma_start3A_399 = tpu.memref_squeeze %dma_start3A_398 : memref<1x8x1024xf32, #tpu.memory_space<hbm>> -> memref<8x1024xf32, #tpu.memory_space<hbm>>
        tpu.enqueue_dma source(%dma_start3A_399 : memref<8x1024xf32, #tpu.memory_space<hbm>>) target(%arg5 : memref<8x1024xf32, #tpu.memory_space<vmem>>) target_semaphore(%arg22 : memref<!tpu.dma_semaphore, #tpu.memory_space<semaphore_mem>>)
        %add3A_400 = arith.constant 1 : i32
        %add3A_401 = arith.addi %add3A_241, %add3A_400 : i32
        %mul3A_402 = arith.constant 8 : i32
        %mul3A_403 = arith.muli %add3A_401, %mul3A_402 : i32
        %add3A_404 = arith.addi %mul3A_2, %mul3A_403 : i32
        %dma_start3A_405 = arith.constant 1 : i32
        %dma_start3A_406 = arith.constant 0 : i32
        %dma_start3A_407 = tpu.memref_slice %arg2[%dma_start3A_405, %add3A_404, %dma_start3A_406] : memref<4x8192x1024xf32, #tpu.memory_space<hbm>> -> memref<1x8x1024xf32, #tpu.memory_space<hbm>>
        %dma_start3A_408 = tpu.memref_squeeze %dma_start3A_407 : memref<1x8x1024xf32, #tpu.memory_space<hbm>> -> memref<8x1024xf32, #tpu.memory_space<hbm>>
        %dma_start3A_409 = arith.constant 0 : i32
        %dma_start3A_410 = tpu.memref_slice %arg2[%dma_start3A_405, %add3A_404, %dma_start3A_409] : memref<4x8192x1024xf32, #tpu.memory_space<hbm>> -> memref<1x8x1024xf32, #tpu.memory_space<hbm>>
        %dma_start3A_411 = tpu.memref_squeeze %dma_start3A_410 : memref<1x8x1024xf32, #tpu.memory_space<hbm>> -> memref<8x1024xf32, #tpu.memory_space<hbm>>
        tpu.enqueue_dma source(%dma_start3A_411 : memref<8x1024xf32, #tpu.memory_space<hbm>>) target(%arg6 : memref<8x1024xf32, #tpu.memory_space<vmem>>) target_semaphore(%arg22 : memref<!tpu.dma_semaphore, #tpu.memory_space<semaphore_mem>>)
        %add3A_412 = arith.constant 1 : i32
        %add3A_413 = arith.addi %add3A_241, %add3A_412 : i32
        %mul3A_414 = arith.constant 8 : i32
        %mul3A_415 = arith.muli %add3A_413, %mul3A_414 : i32
        %add3A_416 = arith.addi %mul3A_2, %mul3A_415 : i32
        %dma_start3A_417 = arith.constant 2 : i32
        %dma_start3A_418 = arith.constant 0 : i32
        %dma_start3A_419 = tpu.memref_slice %arg2[%dma_start3A_417, %add3A_416, %dma_start3A_418] : memref<4x8192x1024xf32, #tpu.memory_space<hbm>> -> memref<1x8x1024xf32, #tpu.memory_space<hbm>>
        %dma_start3A_420 = tpu.memref_squeeze %dma_start3A_419 : memref<1x8x1024xf32, #tpu.memory_space<hbm>> -> memref<8x1024xf32, #tpu.memory_space<hbm>>
        %dma_start3A_421 = arith.constant 0 : i32
        %dma_start3A_422 = tpu.memref_slice %arg2[%dma_start3A_417, %add3A_416, %dma_start3A_421] : memref<4x8192x1024xf32, #tpu.memory_space<hbm>> -> memref<1x8x1024xf32, #tpu.memory_space<hbm>>
        %dma_start3A_423 = tpu.memref_squeeze %dma_start3A_422 : memref<1x8x1024xf32, #tpu.memory_space<hbm>> -> memref<8x1024xf32, #tpu.memory_space<hbm>>
        tpu.enqueue_dma source(%dma_start3A_423 : memref<8x1024xf32, #tpu.memory_space<hbm>>) target(%arg7 : memref<8x1024xf32, #tpu.memory_space<vmem>>) target_semaphore(%arg22 : memref<!tpu.dma_semaphore, #tpu.memory_space<semaphore_mem>>)
        %add3A_424 = arith.constant 1 : i32
        %add3A_425 = arith.addi %add3A_241, %add3A_424 : i32
        %mul3A_426 = arith.constant 8 : i32
        %mul3A_427 = arith.muli %add3A_425, %mul3A_426 : i32
        %add3A_428 = arith.addi %mul3A_2, %mul3A_427 : i32
        %dma_start3A_429 = arith.constant 3 : i32
        %dma_start3A_430 = arith.constant 0 : i32
        %dma_start3A_431 = tpu.memref_slice %arg2[%dma_start3A_429, %add3A_428, %dma_start3A_430] : memref<4x8192x1024xf32, #tpu.memory_space<hbm>> -> memref<1x8x1024xf32, #tpu.memory_space<hbm>>
        %dma_start3A_432 = tpu.memref_squeeze %dma_start3A_431 : memref<1x8x1024xf32, #tpu.memory_space<hbm>> -> memref<8x1024xf32, #tpu.memory_space<hbm>>
        %dma_start3A_433 = arith.constant 0 : i32
        %dma_start3A_434 = tpu.memref_slice %arg2[%dma_start3A_429, %add3A_428, %dma_start3A_433] : memref<4x8192x1024xf32, #tpu.memory_space<hbm>> -> memref<1x8x1024xf32, #tpu.memory_space<hbm>>
        %dma_start3A_435 = tpu.memref_squeeze %dma_start3A_434 : memref<1x8x1024xf32, #tpu.memory_space<hbm>> -> memref<8x1024xf32, #tpu.memory_space<hbm>>
        tpu.enqueue_dma source(%dma_start3A_435 : memref<8x1024xf32, #tpu.memory_space<hbm>>) target(%arg8 : memref<8x1024xf32, #tpu.memory_space<vmem>>) target_semaphore(%arg22 : memref<!tpu.dma_semaphore, #tpu.memory_space<semaphore_mem>>)
      } else {
      }
      %mul3A_258 = arith.constant 8 : i32
      %mul3A_259 = arith.muli %add3A_241, %mul3A_258 : i32
      %add3A_260 = arith.addi %mul3A_2, %mul3A_259 : i32
      %dma_wait3A_261 = arith.constant 0 : i32
      %dma_wait3A_262 = arith.constant 0 : i32
      %dma_wait3A_263 = tpu.memref_slice %arg2[%dma_wait3A_261, %add3A_260, %dma_wait3A_262] : memref<4x8192x1024xf32, #tpu.memory_space<hbm>> -> memref<1x8x1024xf32, #tpu.memory_space<hbm>>
      %dma_wait3A_264 = tpu.memref_squeeze %dma_wait3A_263 : memref<1x8x1024xf32, #tpu.memory_space<hbm>> -> memref<8x1024xf32, #tpu.memory_space<hbm>>
      %dma_wait3A_265 = arith.constant 0 : i32
      %dma_wait3A_266 = tpu.memref_slice %arg2[%dma_wait3A_261, %add3A_260, %dma_wait3A_265] : memref<4x8192x1024xf32, #tpu.memory_space<hbm>> -> memref<1x8x1024xf32, #tpu.memory_space<hbm>>
      %dma_wait3A_267 = tpu.memref_squeeze %dma_wait3A_266 : memref<1x8x1024xf32, #tpu.memory_space<hbm>> -> memref<8x1024xf32, #tpu.memory_space<hbm>>
      tpu.wait_dma2 semaphore(%arg23 : memref<!tpu.dma_semaphore, #tpu.memory_space<semaphore_mem>>) src(%dma_wait3A_267 : memref<8x1024xf32, #tpu.memory_space<hbm>>) dst(%arg9 : memref<8x1024xf32, #tpu.memory_space<vmem>>)
      %mul3A_268 = arith.constant 8 : i32
      %mul3A_269 = arith.muli %add3A_241, %mul3A_268 : i32
      %add3A_270 = arith.addi %mul3A_2, %mul3A_269 : i32
      %dma_wait3A_271 = arith.constant 1 : i32
      %dma_wait3A_272 = arith.constant 0 : i32
      %dma_wait3A_273 = tpu.memref_slice %arg2[%dma_wait3A_271, %add3A_270, %dma_wait3A_272] : memref<4x8192x1024xf32, #tpu.memory_space<hbm>> -> memref<1x8x1024xf32, #tpu.memory_space<hbm>>
      %dma_wait3A_274 = tpu.memref_squeeze %dma_wait3A_273 : memref<1x8x1024xf32, #tpu.memory_space<hbm>> -> memref<8x1024xf32, #tpu.memory_space<hbm>>
      %dma_wait3A_275 = arith.constant 0 : i32
      %dma_wait3A_276 = tpu.memref_slice %arg2[%dma_wait3A_271, %add3A_270, %dma_wait3A_275] : memref<4x8192x1024xf32, #tpu.memory_space<hbm>> -> memref<1x8x1024xf32, #tpu.memory_space<hbm>>
      %dma_wait3A_277 = tpu.memref_squeeze %dma_wait3A_276 : memref<1x8x1024xf32, #tpu.memory_space<hbm>> -> memref<8x1024xf32, #tpu.memory_space<hbm>>
      tpu.wait_dma2 semaphore(%arg23 : memref<!tpu.dma_semaphore, #tpu.memory_space<semaphore_mem>>) src(%dma_wait3A_277 : memref<8x1024xf32, #tpu.memory_space<hbm>>) dst(%arg10 : memref<8x1024xf32, #tpu.memory_space<vmem>>)
      %sub3A = arith.constant 1 : i32
      %sub3A_278 = arith.subi %add3A_241, %sub3A : i32
      %mul3A_279 = arith.constant 8 : i32
      %mul3A_280 = arith.muli %sub3A_278, %mul3A_279 : i32
      %add3A_281 = arith.addi %mul3A_2, %mul3A_280 : i32
      %dma_wait3A_282 = arith.constant 0 : i32
      %dma_wait3A_283 = arith.constant 0 : i32
      %dma_wait3A_284 = tpu.memref_slice %arg4[%dma_wait3A_282, %add3A_281, %dma_wait3A_283] : memref<4x8192x1024xf32, #tpu.memory_space<hbm>> -> memref<1x8x1024xf32, #tpu.memory_space<hbm>>
      %dma_wait3A_285 = tpu.memref_squeeze %dma_wait3A_284 : memref<1x8x1024xf32, #tpu.memory_space<hbm>> -> memref<8x1024xf32, #tpu.memory_space<hbm>>
      %dma_wait3A_286 = arith.constant 0 : i32
      %dma_wait3A_287 = tpu.memref_slice %arg4[%dma_wait3A_282, %add3A_281, %dma_wait3A_286] : memref<4x8192x1024xf32, #tpu.memory_space<hbm>> -> memref<1x8x1024xf32, #tpu.memory_space<hbm>>
      %dma_wait3A_288 = tpu.memref_squeeze %dma_wait3A_287 : memref<1x8x1024xf32, #tpu.memory_space<hbm>> -> memref<8x1024xf32, #tpu.memory_space<hbm>>
      tpu.wait_dma2 semaphore(%arg24 : memref<!tpu.dma_semaphore, #tpu.memory_space<semaphore_mem>>) src(%arg13 : memref<8x1024xf32, #tpu.memory_space<vmem>>) dst(%dma_wait3A_288 : memref<8x1024xf32, #tpu.memory_space<hbm>>)
      %sub3A_289 = arith.constant 1 : i32
      %sub3A_290 = arith.subi %add3A_241, %sub3A_289 : i32
      %mul3A_291 = arith.constant 8 : i32
      %mul3A_292 = arith.muli %sub3A_290, %mul3A_291 : i32
      %add3A_293 = arith.addi %mul3A_2, %mul3A_292 : i32
      %dma_wait3A_294 = arith.constant 1 : i32
      %dma_wait3A_295 = arith.constant 0 : i32
      %dma_wait3A_296 = tpu.memref_slice %arg4[%dma_wait3A_294, %add3A_293, %dma_wait3A_295] : memref<4x8192x1024xf32, #tpu.memory_space<hbm>> -> memref<1x8x1024xf32, #tpu.memory_space<hbm>>
      %dma_wait3A_297 = tpu.memref_squeeze %dma_wait3A_296 : memref<1x8x1024xf32, #tpu.memory_space<hbm>> -> memref<8x1024xf32, #tpu.memory_space<hbm>>
      %dma_wait3A_298 = arith.constant 0 : i32
      %dma_wait3A_299 = arith.constant 0 : i32
      %dma_wait3A_300 = tpu.memref_slice %arg19[%arg1, %dma_wait3A_298, %dma_wait3A_299] : memref<16x8x1024xf32, #tpu.memory_space<vmem_shared>> -> memref<1x8x1024xf32, #tpu.memory_space<vmem_shared>>
      %dma_wait3A_301 = tpu.memref_squeeze %dma_wait3A_300 : memref<1x8x1024xf32, #tpu.memory_space<vmem_shared>> -> memref<8x1024xf32, #tpu.memory_space<vmem_shared>>
      tpu.wait_dma2 semaphore(%arg26 : memref<!tpu.dma_semaphore, #tpu.memory_space<semaphore_mem>>) src(%dma_wait3A_301 : memref<8x1024xf32, #tpu.memory_space<vmem_shared>>) dst(%dma_wait3A_297 : memref<8x1024xf32, #tpu.memory_space<hbm>>)
      %mul3A_302 = arith.constant 8 : i32
      %mul3A_303 = arith.muli %add3A_241, %mul3A_302 : i32
      %add3A_304 = arith.addi %mul3A_2, %mul3A_303 : i32
      %dma_start3A_305 = arith.constant 0 : i32
      %dma_start3A_306 = arith.constant 0 : i32
      %dma_start3A_307 = tpu.memref_slice %arg4[%dma_start3A_305, %add3A_304, %dma_start3A_306] : memref<4x8192x1024xf32, #tpu.memory_space<hbm>> -> memref<1x8x1024xf32, #tpu.memory_space<hbm>>
      %dma_start3A_308 = tpu.memref_squeeze %dma_start3A_307 : memref<1x8x1024xf32, #tpu.memory_space<hbm>> -> memref<8x1024xf32, #tpu.memory_space<hbm>>
      %dma_start3A_309 = arith.constant 0 : i32
      %dma_start3A_310 = tpu.memref_slice %arg4[%dma_start3A_305, %add3A_304, %dma_start3A_309] : memref<4x8192x1024xf32, #tpu.memory_space<hbm>> -> memref<1x8x1024xf32, #tpu.memory_space<hbm>>
      %dma_start3A_311 = tpu.memref_squeeze %dma_start3A_310 : memref<1x8x1024xf32, #tpu.memory_space<hbm>> -> memref<8x1024xf32, #tpu.memory_space<hbm>>
      tpu.enqueue_dma source(%arg13 : memref<8x1024xf32, #tpu.memory_space<vmem>>) target(%dma_start3A_311 : memref<8x1024xf32, #tpu.memory_space<hbm>>) target_semaphore(%arg24 : memref<!tpu.dma_semaphore, #tpu.memory_space<semaphore_mem>>)
      %mul3A_312 = arith.constant 8 : i32
      %mul3A_313 = arith.muli %add3A_241, %mul3A_312 : i32
      %add3A_314 = arith.addi %mul3A_2, %mul3A_313 : i32
      %dma_start3A_315 = arith.constant 1 : i32
      %dma_start3A_316 = arith.constant 0 : i32
      %dma_start3A_317 = tpu.memref_slice %arg4[%dma_start3A_315, %add3A_314, %dma_start3A_316] : memref<4x8192x1024xf32, #tpu.memory_space<hbm>> -> memref<1x8x1024xf32, #tpu.memory_space<hbm>>
      %dma_start3A_318 = tpu.memref_squeeze %dma_start3A_317 : memref<1x8x1024xf32, #tpu.memory_space<hbm>> -> memref<8x1024xf32, #tpu.memory_space<hbm>>
      %dma_start3A_319 = arith.constant 0 : i32
      %dma_start3A_320 = arith.constant 0 : i32
      %dma_start3A_321 = tpu.memref_slice %arg19[%arg1, %dma_start3A_319, %dma_start3A_320] : memref<16x8x1024xf32, #tpu.memory_space<vmem_shared>> -> memref<1x8x1024xf32, #tpu.memory_space<vmem_shared>>
      %dma_start3A_322 = tpu.memref_squeeze %dma_start3A_321 : memref<1x8x1024xf32, #tpu.memory_space<vmem_shared>> -> memref<8x1024xf32, #tpu.memory_space<vmem_shared>>
      tpu.enqueue_dma source(%dma_start3A_322 : memref<8x1024xf32, #tpu.memory_space<vmem_shared>>) target(%dma_start3A_318 : memref<8x1024xf32, #tpu.memory_space<hbm>>) target_semaphore(%arg26 : memref<!tpu.dma_semaphore, #tpu.memory_space<semaphore_mem>>)
      %mul3A_323 = arith.constant 8 : i32
      %mul3A_324 = arith.muli %add3A_241, %mul3A_323 : i32
      %add3A_325 = arith.addi %mul3A_2, %mul3A_324 : i32
      %dma_wait3A_326 = arith.constant 2 : i32
      %dma_wait3A_327 = arith.constant 0 : i32
      %dma_wait3A_328 = tpu.memref_slice %arg2[%dma_wait3A_326, %add3A_325, %dma_wait3A_327] : memref<4x8192x1024xf32, #tpu.memory_space<hbm>> -> memref<1x8x1024xf32, #tpu.memory_space<hbm>>
      %dma_wait3A_329 = tpu.memref_squeeze %dma_wait3A_328 : memref<1x8x1024xf32, #tpu.memory_space<hbm>> -> memref<8x1024xf32, #tpu.memory_space<hbm>>
      %dma_wait3A_330 = arith.constant 0 : i32
      %dma_wait3A_331 = tpu.memref_slice %arg2[%dma_wait3A_326, %add3A_325, %dma_wait3A_330] : memref<4x8192x1024xf32, #tpu.memory_space<hbm>> -> memref<1x8x1024xf32, #tpu.memory_space<hbm>>
      %dma_wait3A_332 = tpu.memref_squeeze %dma_wait3A_331 : memref<1x8x1024xf32, #tpu.memory_space<hbm>> -> memref<8x1024xf32, #tpu.memory_space<hbm>>
      tpu.wait_dma2 semaphore(%arg23 : memref<!tpu.dma_semaphore, #tpu.memory_space<semaphore_mem>>) src(%dma_wait3A_332 : memref<8x1024xf32, #tpu.memory_space<hbm>>) dst(%arg11 : memref<8x1024xf32, #tpu.memory_space<vmem>>)
      %mul3A_333 = arith.constant 8 : i32
      %mul3A_334 = arith.muli %add3A_241, %mul3A_333 : i32
      %add3A_335 = arith.addi %mul3A_2, %mul3A_334 : i32
      %dma_wait3A_336 = arith.constant 3 : i32
      %dma_wait3A_337 = arith.constant 0 : i32
      %dma_wait3A_338 = tpu.memref_slice %arg2[%dma_wait3A_336, %add3A_335, %dma_wait3A_337] : memref<4x8192x1024xf32, #tpu.memory_space<hbm>> -> memref<1x8x1024xf32, #tpu.memory_space<hbm>>
      %dma_wait3A_339 = tpu.memref_squeeze %dma_wait3A_338 : memref<1x8x1024xf32, #tpu.memory_space<hbm>> -> memref<8x1024xf32, #tpu.memory_space<hbm>>
      %dma_wait3A_340 = arith.constant 0 : i32
      %dma_wait3A_341 = tpu.memref_slice %arg2[%dma_wait3A_336, %add3A_335, %dma_wait3A_340] : memref<4x8192x1024xf32, #tpu.memory_space<hbm>> -> memref<1x8x1024xf32, #tpu.memory_space<hbm>>
      %dma_wait3A_342 = tpu.memref_squeeze %dma_wait3A_341 : memref<1x8x1024xf32, #tpu.memory_space<hbm>> -> memref<8x1024xf32, #tpu.memory_space<hbm>>
      tpu.wait_dma2 semaphore(%arg23 : memref<!tpu.dma_semaphore, #tpu.memory_space<semaphore_mem>>) src(%dma_wait3A_342 : memref<8x1024xf32, #tpu.memory_space<hbm>>) dst(%arg12 : memref<8x1024xf32, #tpu.memory_space<vmem>>)
      %sub3A_343 = arith.constant 1 : i32
      %sub3A_344 = arith.subi %add3A_241, %sub3A_343 : i32
      %mul3A_345 = arith.constant 8 : i32
      %mul3A_346 = arith.muli %sub3A_344, %mul3A_345 : i32
      %add3A_347 = arith.addi %mul3A_2, %mul3A_346 : i32
      %dma_wait3A_348 = arith.constant 2 : i32
      %dma_wait3A_349 = arith.constant 0 : i32
      %dma_wait3A_350 = tpu.memref_slice %arg4[%dma_wait3A_348, %add3A_347, %dma_wait3A_349] : memref<4x8192x1024xf32, #tpu.memory_space<hbm>> -> memref<1x8x1024xf32, #tpu.memory_space<hbm>>
      %dma_wait3A_351 = tpu.memref_squeeze %dma_wait3A_350 : memref<1x8x1024xf32, #tpu.memory_space<hbm>> -> memref<8x1024xf32, #tpu.memory_space<hbm>>
      %dma_wait3A_352 = arith.constant 0 : i32
      %dma_wait3A_353 = tpu.memref_slice %arg4[%dma_wait3A_348, %add3A_347, %dma_wait3A_352] : memref<4x8192x1024xf32, #tpu.memory_space<hbm>> -> memref<1x8x1024xf32, #tpu.memory_space<hbm>>
      %dma_wait3A_354 = tpu.memref_squeeze %dma_wait3A_353 : memref<1x8x1024xf32, #tpu.memory_space<hbm>> -> memref<8x1024xf32, #tpu.memory_space<hbm>>
      tpu.wait_dma2 semaphore(%arg25 : memref<!tpu.dma_semaphore, #tpu.memory_space<semaphore_mem>>) src(%arg15 : memref<8x1024xf32, #tpu.memory_space<vmem>>) dst(%dma_wait3A_354 : memref<8x1024xf32, #tpu.memory_space<hbm>>)
      %sub3A_355 = arith.constant 1 : i32
      %sub3A_356 = arith.subi %add3A_241, %sub3A_355 : i32
      %mul3A_357 = arith.constant 8 : i32
      %mul3A_358 = arith.muli %sub3A_356, %mul3A_357 : i32
      %add3A_359 = arith.addi %mul3A_2, %mul3A_358 : i32
      %dma_wait3A_360 = arith.constant 3 : i32
      %dma_wait3A_361 = arith.constant 0 : i32
      %dma_wait3A_362 = tpu.memref_slice %arg4[%dma_wait3A_360, %add3A_359, %dma_wait3A_361] : memref<4x8192x1024xf32, #tpu.memory_space<hbm>> -> memref<1x8x1024xf32, #tpu.memory_space<hbm>>
      %dma_wait3A_363 = tpu.memref_squeeze %dma_wait3A_362 : memref<1x8x1024xf32, #tpu.memory_space<hbm>> -> memref<8x1024xf32, #tpu.memory_space<hbm>>
      %dma_wait3A_364 = arith.constant 0 : i32
      %dma_wait3A_365 = tpu.memref_slice %arg4[%dma_wait3A_360, %add3A_359, %dma_wait3A_364] : memref<4x8192x1024xf32, #tpu.memory_space<hbm>> -> memref<1x8x1024xf32, #tpu.memory_space<hbm>>
      %dma_wait3A_366 = tpu.memref_squeeze %dma_wait3A_365 : memref<1x8x1024xf32, #tpu.memory_space<hbm>> -> memref<8x1024xf32, #tpu.memory_space<hbm>>
      tpu.wait_dma2 semaphore(%arg25 : memref<!tpu.dma_semaphore, #tpu.memory_space<semaphore_mem>>) src(%arg16 : memref<8x1024xf32, #tpu.memory_space<vmem>>) dst(%dma_wait3A_366 : memref<8x1024xf32, #tpu.memory_space<hbm>>)
      %mul3A_367 = arith.constant 8 : i32
      %mul3A_368 = arith.muli %add3A_241, %mul3A_367 : i32
      %add3A_369 = arith.addi %mul3A_2, %mul3A_368 : i32
      %dma_start3A_370 = arith.constant 2 : i32
      %dma_start3A_371 = arith.constant 0 : i32
      %dma_start3A_372 = tpu.memref_slice %arg4[%dma_start3A_370, %add3A_369, %dma_start3A_371] : memref<4x8192x1024xf32, #tpu.memory_space<hbm>> -> memref<1x8x1024xf32, #tpu.memory_space<hbm>>
      %dma_start3A_373 = tpu.memref_squeeze %dma_start3A_372 : memref<1x8x1024xf32, #tpu.memory_space<hbm>> -> memref<8x1024xf32, #tpu.memory_space<hbm>>
      %dma_start3A_374 = arith.constant 0 : i32
      %dma_start3A_375 = tpu.memref_slice %arg4[%dma_start3A_370, %add3A_369, %dma_start3A_374] : memref<4x8192x1024xf32, #tpu.memory_space<hbm>> -> memref<1x8x1024xf32, #tpu.memory_space<hbm>>
      %dma_start3A_376 = tpu.memref_squeeze %dma_start3A_375 : memref<1x8x1024xf32, #tpu.memory_space<hbm>> -> memref<8x1024xf32, #tpu.memory_space<hbm>>
      tpu.enqueue_dma source(%arg15 : memref<8x1024xf32, #tpu.memory_space<vmem>>) target(%dma_start3A_376 : memref<8x1024xf32, #tpu.memory_space<hbm>>) target_semaphore(%arg25 : memref<!tpu.dma_semaphore, #tpu.memory_space<semaphore_mem>>)
      %mul3A_377 = arith.constant 8 : i32
      %mul3A_378 = arith.muli %add3A_241, %mul3A_377 : i32
      %add3A_379 = arith.addi %mul3A_2, %mul3A_378 : i32
      %dma_start3A_380 = arith.constant 3 : i32
      %dma_start3A_381 = arith.constant 0 : i32
      %dma_start3A_382 = tpu.memref_slice %arg4[%dma_start3A_380, %add3A_379, %dma_start3A_381] : memref<4x8192x1024xf32, #tpu.memory_space<hbm>> -> memref<1x8x1024xf32, #tpu.memory_space<hbm>>
      %dma_start3A_383 = tpu.memref_squeeze %dma_start3A_382 : memref<1x8x1024xf32, #tpu.memory_space<hbm>> -> memref<8x1024xf32, #tpu.memory_space<hbm>>
      %dma_start3A_384 = arith.constant 0 : i32
      %dma_start3A_385 = tpu.memref_slice %arg4[%dma_start3A_380, %add3A_379, %dma_start3A_384] : memref<4x8192x1024xf32, #tpu.memory_space<hbm>> -> memref<1x8x1024xf32, #tpu.memory_space<hbm>>
      %dma_start3A_386 = tpu.memref_squeeze %dma_start3A_385 : memref<1x8x1024xf32, #tpu.memory_space<hbm>> -> memref<8x1024xf32, #tpu.memory_space<hbm>>
      tpu.enqueue_dma source(%arg16 : memref<8x1024xf32, #tpu.memory_space<vmem>>) target(%dma_start3A_386 : memref<8x1024xf32, #tpu.memory_space<hbm>>) target_semaphore(%arg25 : memref<!tpu.dma_semaphore, #tpu.memory_space<semaphore_mem>>)
      %scan3A_387 = arith.constant 0 : i32
      scf.yield %scan3A_387 : i32
    }
    %scan3A_49 = arith.constant 16 : i32
    %add3A_50 = arith.constant 248 : i32
    %add3A_51 = arith.addi %mul3A_2, %add3A_50 : i32
    %dma_wait3A = arith.constant 0 : i32
    %dma_wait3A_52 = arith.constant 0 : i32
    %dma_wait3A_53 = tpu.memref_slice %arg4[%dma_wait3A, %add3A_51, %dma_wait3A_52] : memref<4x8192x1024xf32, #tpu.memory_space<hbm>> -> memref<1x8x1024xf32, #tpu.memory_space<hbm>>
    %dma_wait3A_54 = tpu.memref_squeeze %dma_wait3A_53 : memref<1x8x1024xf32, #tpu.memory_space<hbm>> -> memref<8x1024xf32, #tpu.memory_space<hbm>>
    %dma_wait3A_55 = arith.constant 0 : i32
    %dma_wait3A_56 = tpu.memref_slice %arg4[%dma_wait3A, %add3A_51, %dma_wait3A_55] : memref<4x8192x1024xf32, #tpu.memory_space<hbm>> -> memref<1x8x1024xf32, #tpu.memory_space<hbm>>
    %dma_wait3A_57 = tpu.memref_squeeze %dma_wait3A_56 : memref<1x8x1024xf32, #tpu.memory_space<hbm>> -> memref<8x1024xf32, #tpu.memory_space<hbm>>
    tpu.wait_dma2 semaphore(%arg24 : memref<!tpu.dma_semaphore, #tpu.memory_space<semaphore_mem>>) src(%arg13 : memref<8x1024xf32, #tpu.memory_space<vmem>>) dst(%dma_wait3A_57 : memref<8x1024xf32, #tpu.memory_space<hbm>>)
    %add3A_58 = arith.constant 248 : i32
    %add3A_59 = arith.addi %mul3A_2, %add3A_58 : i32
    %dma_wait3A_60 = arith.constant 1 : i32
    %dma_wait3A_61 = arith.constant 0 : i32
    %dma_wait3A_62 = tpu.memref_slice %arg4[%dma_wait3A_60, %add3A_59, %dma_wait3A_61] : memref<4x8192x1024xf32, #tpu.memory_space<hbm>> -> memref<1x8x1024xf32, #tpu.memory_space<hbm>>
    %dma_wait3A_63 = tpu.memref_squeeze %dma_wait3A_62 : memref<1x8x1024xf32, #tpu.memory_space<hbm>> -> memref<8x1024xf32, #tpu.memory_space<hbm>>
    %dma_wait3A_64 = arith.constant 0 : i32
    %dma_wait3A_65 = arith.constant 0 : i32
    %dma_wait3A_66 = tpu.memref_slice %arg19[%arg1, %dma_wait3A_64, %dma_wait3A_65] : memref<16x8x1024xf32, #tpu.memory_space<vmem_shared>> -> memref<1x8x1024xf32, #tpu.memory_space<vmem_shared>>
    %dma_wait3A_67 = tpu.memref_squeeze %dma_wait3A_66 : memref<1x8x1024xf32, #tpu.memory_space<vmem_shared>> -> memref<8x1024xf32, #tpu.memory_space<vmem_shared>>
    tpu.wait_dma2 semaphore(%arg26 : memref<!tpu.dma_semaphore, #tpu.memory_space<semaphore_mem>>) src(%dma_wait3A_67 : memref<8x1024xf32, #tpu.memory_space<vmem_shared>>) dst(%dma_wait3A_63 : memref<8x1024xf32, #tpu.memory_space<hbm>>)
    %add3A_68 = arith.constant 248 : i32
    %add3A_69 = arith.addi %mul3A_2, %add3A_68 : i32
    %dma_wait3A_70 = arith.constant 2 : i32
    %dma_wait3A_71 = arith.constant 0 : i32
    %dma_wait3A_72 = tpu.memref_slice %arg4[%dma_wait3A_70, %add3A_69, %dma_wait3A_71] : memref<4x8192x1024xf32, #tpu.memory_space<hbm>> -> memref<1x8x1024xf32, #tpu.memory_space<hbm>>
    %dma_wait3A_73 = tpu.memref_squeeze %dma_wait3A_72 : memref<1x8x1024xf32, #tpu.memory_space<hbm>> -> memref<8x1024xf32, #tpu.memory_space<hbm>>
    %dma_wait3A_74 = arith.constant 0 : i32
    %dma_wait3A_75 = tpu.memref_slice %arg4[%dma_wait3A_70, %add3A_69, %dma_wait3A_74] : memref<4x8192x1024xf32, #tpu.memory_space<hbm>> -> memref<1x8x1024xf32, #tpu.memory_space<hbm>>
    %dma_wait3A_76 = tpu.memref_squeeze %dma_wait3A_75 : memref<1x8x1024xf32, #tpu.memory_space<hbm>> -> memref<8x1024xf32, #tpu.memory_space<hbm>>
    tpu.wait_dma2 semaphore(%arg25 : memref<!tpu.dma_semaphore, #tpu.memory_space<semaphore_mem>>) src(%arg15 : memref<8x1024xf32, #tpu.memory_space<vmem>>) dst(%dma_wait3A_76 : memref<8x1024xf32, #tpu.memory_space<hbm>>)
    %add3A_77 = arith.constant 248 : i32
    %add3A_78 = arith.addi %mul3A_2, %add3A_77 : i32
    %dma_wait3A_79 = arith.constant 3 : i32
    %dma_wait3A_80 = arith.constant 0 : i32
    %dma_wait3A_81 = tpu.memref_slice %arg4[%dma_wait3A_79, %add3A_78, %dma_wait3A_80] : memref<4x8192x1024xf32, #tpu.memory_space<hbm>> -> memref<1x8x1024xf32, #tpu.memory_space<hbm>>
    %dma_wait3A_82 = tpu.memref_squeeze %dma_wait3A_81 : memref<1x8x1024xf32, #tpu.memory_space<hbm>> -> memref<8x1024xf32, #tpu.memory_space<hbm>>
    %dma_wait3A_83 = arith.constant 0 : i32
    %dma_wait3A_84 = tpu.memref_slice %arg4[%dma_wait3A_79, %add3A_78, %dma_wait3A_83] : memref<4x8192x1024xf32, #tpu.memory_space<hbm>> -> memref<1x8x1024xf32, #tpu.memory_space<hbm>>
    %dma_wait3A_85 = tpu.memref_squeeze %dma_wait3A_84 : memref<1x8x1024xf32, #tpu.memory_space<hbm>> -> memref<8x1024xf32, #tpu.memory_space<hbm>>
    tpu.wait_dma2 semaphore(%arg25 : memref<!tpu.dma_semaphore, #tpu.memory_space<semaphore_mem>>) src(%arg16 : memref<8x1024xf32, #tpu.memory_space<vmem>>) dst(%dma_wait3A_85 : memref<8x1024xf32, #tpu.memory_space<hbm>>)
    return
  }
}

</mosaic_0001>

<sc_bundles>
// kernel: kernel.3.cloned.1.call-start
scs
__scs_entry_jumppad:
0x0: {  	(pc) =	sbr.rel $0x88, $3  }
0x1: {  	(tag) =	ssettag $0x0;
	lr =	simm.s32 $0x1  }
0x2: {  	[smem:$0x3F9F] =	sst lr;
	_ =	strace $0xD0000000  }
0x3: {  	_ = 	snop  }
0x4: {  	_ = 	snop  }
0x5: {  	_ = 	snop  }
0x6: {  	_ = 	snop  }
0x7: {  	_ = 	snop  }
__scs_overlays_trampoline_lowered:
0x8: {  	[smem:$0x3FAE] =	sst s0  }
0x9: {  	[smem:$0x3FAF] =	sst s1  }
0xa: {  	[smem:$0x3FB0] =	sst s2  }
0xb: {  	[smem:$0x3FB1] =	sst s3  }
0xc: {  	[smem:$0x3FB2] =	sst s4  }
0xd: {  	[smem:$0x3FB3] =	sst s5  }
0xe: {  	[smem:$0x3FB4] =	sst s6  }
0xf: {  	[smem:$0x3FB5] =	sst s7  }
0x10: {  	[smem:$0x3FB6] =	sst s8  }
0x11: {  	[smem:$0x3FB7] =	sst s9;
	s0 =	simm.s32 @!p0 $0x0  }
0x12: {  	s1 =	sld [smem:$0x3F9D];
	s0 =	simm.s32 @p0 $0x1  }
0x13: {  	[smem:$0x3FB8] =	sst s0;
	s0 =	simm.s32 @!p1 $0x0  }
0x14: {  	s2 =	sld [smem:$0x3F9C];
	s0 =	simm.s32 @p1 $0x1  }
0x15: {  	[smem:$0x3FB9] =	sst s0;
	s0 =	simm.s32 @!p2 $0x0  }
0x16: {  	s3 =	sld [smem:$0x3FDB];
	s0 =	simm.s32 @p2 $0x1  }
0x17: {  	s4 =	simm.s32 $0x1BF5;
	[smem:$0x3FBB] =	sst s0  }
0x18: {  	s0 =	sld [smem:$0x3F9E];
	_ =	swait.ge [sflag:s4], $0x0  }
0x19: {  	s7 =	sld [smem:$0x3F9F]  }
0x1a: {  	s8 =	sadd.s32 $0xFFFFE003, lr  }
0x1b: {  	s9 =	sadd.s32 $0xFFFFFEF7, lr;
	s5 =	simm.s32 $0xFFFFFFFF;
	p2 =	slt.u32 s8, $0xFFFFF086  }
0x1c: {  	p1 =	slt.u32 s9, $0xF7A;
	s5 =	simm.s32 @!p2 $0x0  }
0x1d: {  	s5 =	simm.s32 @p1 $0x1;
	p0 =	seq.s32 s7, s2  }
0x1e: {  	s7 =	smul.u32 @!p0 $0xF7A, s2;
	p2 =	seq.s32 @!p0 s5, $0x0  }
0x1f: {  	s9 =	smul.u32 $0xF7A, s1;
	s8 =	simm.s32 @!p0 $0x1BF5;
	p2 =	por !p2, p0  }
0x20: {  	[sflag:s8] =	ssyncset.s32 @!p0 $0xFFFFF086;
	s6 =	sadd.s32 @!p0 s3, s7;
	s7 =	simm.s32 @!p0 $0x108  }
0x21: {  	s3 =	sadd.s32 s3, s9;
	s6 =	sadd.s32 @!p0 $0x88, s6;
	s7 =	simm.s32 @p2 $0x1082  }
0x22: {  	[simem:s7], [sflag:s8] =	dma.local @!p0 [hbm:s6], $0xF7A  }
0x23: {  	s9 =	sor.u32 $0xD0000000, s2;
	s6 =	simm.s32 $0x108;
	_ =	swait.ge @!p0 [sflag:s8], $0x0  }
0x24: {  	s3 =	sadd.s32 $0x88, s3;
	s6 =	simm.s32 @!p1 $0x1082;
	[sflag:s4] =	ssyncset.s32 $0xFFFFF086  }
0x25: {  	[simem:s6], [sflag:s4] =	dma.local [hbm:s3], $0xF7A  }
0x26: {  	[smem:$0x3F9F] =	sst s1;
	(tag) =	ssettag s2;
	_ =	strace s9  }
0x27: {  	s1 =	sld [smem:$0x3FAF]  }
0x28: {  	s2 =	sld [smem:$0x3FB0]  }
0x29: {  	s4 =	sld [smem:$0x3FB2]  }
0x2a: {  	p0 =	seq.s32 s5, $0x0;
	s5 =	sld [smem:$0x3FB3]  }
0x2b: {  	s6 =	sld [smem:$0x3FB4]  }
0x2c: {  	s7 =	sld [smem:$0x3FB5]  }
0x2d: {  	s3 =	simm.s32 $0x108;
	s8 =	sld [smem:$0x3FB6]  }
0x2e: {  	s3 =	simm.s32 @!p0 $0x1082;
	s9 =	sld [smem:$0x3FB7]  }
0x2f: {  	lr =	sadd.s32 s0, s3;
	s0 =	sld [smem:$0x3FAE]  }
0x30: {  	s3 =	sld [smem:$0x3FB1]  }
0x31: {  	[smem:$0x3FBA] =	sst s10  }
0x32: {  	s10 =	sld [smem:$0x3FB8];
	_ =	sdelay $0x3  }
0x33: {  	p0 =	seq.s32 s10, $0x1;
	s10 =	sld [smem:$0x3FBA];
	_ =	sdelay $0x3  }
0x34: {  	[smem:$0x3FBA] =	sst s10  }
0x35: {  	s10 =	sld [smem:$0x3FB9];
	_ =	sdelay $0x3  }
0x36: {  	p1 =	seq.s32 s10, $0x1;
	s10 =	sld [smem:$0x3FBA];
	_ =	sdelay $0x3  }
0x37: {  	[smem:$0x3FBA] =	sst s10  }
0x38: {  	s10 =	sld [smem:$0x3FBB]  }
0x39: {  	_ = 	snop;
	(pc) =	sbr.ind lr, $3  }
0x3a: {  	_ = 	snop  }
0x3b: {  	_ = 	snop  }
0x3c: {  	p2 =	seq.s32 s10, $0x1;
	s10 =	sld [smem:$0x3FBA]  }
0x3d: {  	_ =	shalt  }
0x3e: {  	_ =	shalt  }
0x3f: {  	_ =	shalt  }
0x40: {  	_ =	shalt  }
0x41: {  	_ =	shalt  }
0x42: {  	_ =	shalt  }
0x43: {  	_ =	shalt  }
0x44: {  	_ =	shalt  }
0x45: {  	_ =	shalt  }
0x46: {  	_ =	shalt  }
0x47: {  	_ =	shalt  }
0x48: {  	_ =	shalt  }
0x49: {  	_ =	shalt  }
0x4a: {  	_ =	shalt  }
0x4b: {  	_ =	shalt  }
0x4c: {  	_ =	shalt  }
0x4d: {  	_ =	shalt  }
0x4e: {  	_ =	shalt  }
0x4f: {  	_ =	shalt  }
0x50: {  	_ =	shalt  }
0x51: {  	_ =	shalt  }
0x52: {  	_ =	shalt  }
0x53: {  	_ =	shalt  }
0x54: {  	_ =	shalt  }
0x55: {  	_ =	shalt  }
0x56: {  	_ =	shalt  }
0x57: {  	_ =	shalt  }
0x58: {  	_ =	shalt  }
0x59: {  	_ =	shalt  }
0x5a: {  	_ =	shalt  }
0x5b: {  	_ =	shalt  }
0x5c: {  	_ =	shalt  }
0x5d: {  	_ =	shalt  }
0x5e: {  	_ =	shalt  }
0x5f: {  	_ =	shalt  }
0x60: {  	_ =	shalt  }
0x61: {  	_ =	shalt  }
0x62: {  	_ =	shalt  }
0x63: {  	_ =	shalt  }
0x64: {  	_ =	shalt  }
0x65: {  	_ =	shalt  }
0x66: {  	_ =	shalt  }
0x67: {  	_ =	shalt  }
0x68: {  	_ =	shalt  }
0x69: {  	_ =	shalt  }
0x6a: {  	_ =	shalt  }
0x6b: {  	_ =	shalt  }
0x6c: {  	_ =	shalt  }
0x6d: {  	_ =	shalt  }
0x6e: {  	_ =	shalt  }
0x6f: {  	_ =	shalt  }
0x70: {  	_ =	shalt  }
0x71: {  	_ =	shalt  }
0x72: {  	_ =	shalt  }
0x73: {  	_ =	shalt  }
0x74: {  	_ =	shalt  }
0x75: {  	_ =	shalt  }
0x76: {  	_ =	shalt  }
0x77: {  	_ =	shalt  }
0x78: {  	_ =	shalt  }
0x79: {  	_ =	shalt  }
0x7a: {  	_ =	shalt  }
0x7b: {  	_ =	shalt  }
0x7c: {  	_ =	shalt  }
0x7d: {  	_ =	shalt  }
0x7e: {  	_ =	shalt  }
0x7f: {  	_ =	shalt  }
0x80: {  	_ =	shalt  }
0x81: {  	_ =	shalt  }
0x82: {  	_ =	shalt  }
0x83: {  	_ =	shalt  }
0x84: {  	_ =	shalt  }
0x85: {  	_ =	shalt  }
0x86: {  	_ =	shalt  }
0x87: {  	_ =	shalt  }
.Lfunc_end0:
.L_simem_size_0:
called_computation_lowered:
.L_overlay_start_0:
0x88: {  	s2 =	sld [smem:$0x3FD9]  }
0x89: {  	s3 =	sld [smem:$0x3FFE];
	_ =	sdelay $0x1  }
0x8a: {  	s1 =	srdreg.scid  }
0x8b: {  	s0 =	sand.u32 $0x1, s1  }
0x8c: {  	s18 =	sshll.u32 s0, $0xA;
	s2 =	sadd.s32 s3, s2  }
0x8d: {  	s2 =	sadd.s32 s2, s18  }
0x8e: {  	[smem:$0x3FC6] =	sst s2  }
0x8f: {  	_ = 	snop  }
0x90: {  	s2 =	sld [smem:$0x3FC9]  }
0x91: {  	s19 =	sld [smem:$0x3FC8]  }
0x92: {  	s4 =	sld [smem:$0x3FD0];
	(tm) =	ssettm $0x1  }
0x93: {  	s5 =	sld [smem:$0x3FFB];
	_ =	sdelay $0x3  }
0x94: {  	_ =	strace s5  }
0x95: {  	s5 =	sld [smem:$0x3FFC];
	_ =	sdelay $0x3  }
0x96: {  	_ =	strace s5  }
0x97: {  	s5 =	sld [smem:$0x3FFD];
	_ =	sdelay $0x3  }
0x98: {  	_ =	strace s5  }
0x99: {  	_ =	strace $0x8FFFFFFF  }
0x9a: {  	s20 =	sld [smem:$0x3FDB];
	_ =	sdelay $0x1  }
0x9b: {  	s6 =	simm.s32 $_scs_section_size  }
0x9c: {  	s7 =	simm.s32 $_size__tile_overlayer_lowered;
	s8 =	simm.s32 $_tile_overlayer_lowered  }
0x9d: {  	s23 =	simm.s32 $0x1BFF;
	s22 =	sshll.u32 s8, $0x1;
	s5 =	sadd.s32 s6, s20  }
0x9e: {  	s9 =	simm.s32 $0x0;
	s21 =	sshll.u32 s7, $0x1;
	s7 =	sadd.s32 s22, s5  }
0x9f: {  	[timem:s9], [sflag:s23] =	dma.local [hbm:s7], s21  }
0xa0: {  	_ =	swait.ge [sflag:s23], s21  }
0xa1: {  	s6 =	ssub.s32 $0x0, s21;
	[sflag:s23] =	ssyncset.done $0x0  }
0xa2: {  	[sflag:s23] =	ssyncadd.s32 s6;
	_ =	sdelay $0x1  }
0xa3: {  	s24 =	simm.s32 $0x1B8B  }
0xa4: {  	_ =	swait.ge [sflag:s24], $0x1  }
0xa5: {  	[sflag:s24] =	ssyncset.done $0x0  }
0xa6: {  	s25 =	simm.s32 $0x1B8E;
	[sflag:s24] =	ssyncadd.s32 $0xFFFFFFFF  }
0xa7: {  	s26 =	simm.s32 $execute0_lowered;
	[smem:$0x3FD2] =	sst s25  }
0xa8: {  	s6 =	sshll.u32 s26, $0x1;
	_ =	strace $0x80000046;
	[dreg:$0x1] =	wrdreg $0xFFFFFFFF  }
0xa9: {  	s28 =	simm.s32 $_size_execute0_lowered;
	s5 =	sadd.s32 s5, s6;
	[dreg:$0x0] =	wrdreg $0x0  }
0xaa: {  	s6 =	sshll.u32 s28, $0x1;
	[dreg:$0x2] =	wrdreg s5  }
0xab: {  	[dreg:$0x3] =	wrdreg s6  }
0xac: {  	[dreg:$0x4] =	wrdreg $0xC0  }
0xad: {  	_ =	task [dreg:s9], $0x5FFFF  }
0xae: {  	[dreg:$0x1] =	wrdreg $0xFFFFFFFF  }
0xaf: {  	[dreg:$0x0] =	wrdreg $0x60  }
0xb0: {  	[dreg:$0x2] =	wrdreg s2  }
0xb1: {  	[dreg:$0x3] =	wrdreg s19  }
0xb2: {  	[dreg:$0x4] =	wrdreg s4  }
0xb3: {  	[dreg:$0x5] =	wrdreg $0x1A0000  }
0xb4: {  	[dreg:$0x6] =	wrdreg $0x9  }
0xb5: {  	_ =	task.clear_ibuf [dreg:s9], $0x7FFFF;
	_ =	strace $0x90000046  }
0xb6: {  	s29 =	simm.s32 $0x9;
	_ =	strace $0x80000048  }
0xb7: {  	_ =	swait.ge [sflag:s29], $0x1  }
0xb8: {  	[sflag:s29] =	ssyncadd.s32 $0xFFFFFFFF  }
0xb9: {  	_ =	strace $0x90000048  }
0xba: {  	_ =	sfence  }
0xbb: {  	s30 =	sld [smem:$0x0];
	_ =	sdelay $0x2  }
0xbc: {  	s31 =	sshll.u32 s1, $0xD;
	s1 =	sshrl.u32 s1, $0x2  }
0xbd: {  	s3 =	sand.u32 $0x4000, s31;
	s1 =	sadd.s32 s1, s30  }
0xbe: {  	s0 =	sor.u32 s3, s0;
	s1 =	sshll.u32 s1, $0x11  }
0xbf: {  	s0 =	sor.u32 s1, s0  }
0xc0: {  	s0 =	sadd.s32 $0x8F2B, s0  }
0xc1: {  	[sflag:s0] =	ssyncadd.remote.s32 $0x1  }
0xc2: {  	_ =	sfence.sel $0xFFFF  }
0xc3: {  	[dreg:$0x0] =	wrdreg $0xFFFFFFFF;
	(pc) =	sbr.abs _section_cstart, $3  }
0xc4: {  	[dreg:$0x1] =	wrdreg $0xFFFFFFFF  }
0xc5: {  	_ =	task.clear_ibuf [dreg:s9], $0x2FFFF;
	_ =	strace $0x9FFFFFFF  }
0xc6: {  	(tm) =	ssettm $0x7FFFFFFF  }
0xc7: {  	_ =	shalt  }
tec
execute0_lowered:
.L_overlay_start_1:
0x0: {  	(tag) =	ssettag $0x1  }
0x1: {  	s1 =	rddreg [dreg:$0x0]  }
0x2: {  	s0 =	rddreg [dreg:$0x1]  }
0x3: {  	s3 =	rddreg [dreg:$0x2]  }
0x4: {  	s2 =	rddreg [dreg:$0x3]  }
0x5: {  	s4 =	srdreg.scid;
	s13 =	stileid.u32;
	s26 =	simm.s32 $0x18000  }
0x6: {  	s28 =	simm.s32 $0x8000;
	s29 =	simm.s32 $0xA000;
	s30 =	simm.s32 $0xC000  }
0x7: {  	s31 =	simm.s32 $0xE000;
	s8 =	sand.u32 $0x1, s4;
	s4 =	simm.s32 $0x0  }
0x8: {  	s16 =	simm.s32 $0x1;
	s10 =	sshll.u32 s13, $0x10;
	[smem:$0x7FF] =	sst s4  }
0x9: {  	s18 =	sshll.u32 s13, $0xD;
	_ =	strace $0x80000047;
	[dreg:$0x9] =	wrdreg s26  }
0xa: {  	s13 =	sshll.u32 s13, $0x13;
	s11 =	sshll.u32 s8, $0xF;
	[dreg:$0xa] =	wrdreg s28  }
0xb: {  	s7 =	ssub.s32 $0x2, s8;
	s8 =	sshll.u32 s8, $0x12;
	[dreg:$0xb] =	wrdreg s29  }
0xc: {  	s21 =	sadd.s32 s10, s3;
	s5 =	sor.u32 s11, s10;
	[dreg:$0xc] =	wrdreg s30  }
0xd: {  	s9 =	sshrl.u32 s7, $0x1;
	s20 =	sor.u32 s8, s13;
	[dreg:$0xd] =	wrdreg s31  }
0xe: {  	s26 =	simm.s32 $0x0;
	s6 =	sadd.s32 s1, s5;
	s12 =	ssub.s32 s7, s9  }
0xf: {  	s7 =	sadd.s32 s0, s5;
	s0 =	sadd.s32 s18, s2;
	s8 =	sor.u32 $0x804000, s20  }
0x10: {  	s2 =	sor.u32 $0x1804000, s20;
	s18 =	simm.s32 $0x10000;
	s20 =	simm.s32 $0x14000  }
0x11: {  	s17 =	sadd.s32 $0x100000, s6;
	s19 =	sadd.s32 $0x200000, s6;
	[dreg:$0x5] =	wrdreg s0  }
0x12: {  	s0 =	sadd.s32 s11, s21;
	s8 =	sshrl.u32 s8, $0x3;
	[dreg:$0xe] =	wrdreg s17  }
0x13: {  	s2 =	sshrl.u32 s2, $0x3;
	s23 =	sadd.s32 $0x300000, s6;
	[dreg:$0xf] =	wrdreg s19  }
0x14: {  	s25 =	smax.u32 s12, $0x1;
	s21 =	simm.s32 $0x2;
	[dreg:$0x6] =	wrdreg s0  }
0x15: {  	s22 =	sadd.s32 s8, s1;
	[dreg:$0x10] =	wrdreg s23;
	s24 =	sadd.s32 s2, s1  }
0x16: {  	[dreg:$0x11] =	wrdreg s25;
	s17 =	simm.s32 $0x3;
	s19 =	simm.s32 $0x12000  }
0x17: {  	s23 =	simm.s32 $0x5;
	s25 =	simm.s32 $0x6;
	[dreg:$0x7] =	wrdreg s22  }
0x18: {  	[dreg:$0x8] =	wrdreg s24;
	s22 =	simm.s32 $0x4;
	s24 =	simm.s32 $0x7  }
.LBB2_1:
0x19: {  	s0 =	simm.s32 $0x16000  }
0x1a: {  	[tilespmem:s0], [sflag:$0x1] =	stream.linear.gather [hbm4b:s7+s4], $0x2000, $0x38;
	[tilespmem:$0x1C000] =	vst v63  }
0x1b: {  	_ = 	snop  }
0x1c: {  	[tilespmem:s4], [sflag:$0x3] =	stream.linear.gather [hbm4b:s6+s4], $0x2000, $0x38;
	[tilespmem:$0x1C000] =	vst v63  }
0x1d: {  	s10 =	rddreg [dreg:$0xe];
	s2 =	simm.s32 $0x2000  }
0x1e: {  	[tilespmem:s2], [sflag:$0x3] =	stream.linear.gather [hbm4b:s10+s4], $0x2000, $0x38;
	[tilespmem:$0x1C000] =	vst v63  }
0x1f: {  	s11 =	rddreg [dreg:$0xf];
	s12 =	simm.s32 $0x4000  }
0x20: {  	[tilespmem:s12], [sflag:$0x3] =	stream.linear.gather [hbm4b:s11+s4], $0x2000, $0x38;
	[tilespmem:$0x1C000] =	vst v63  }
0x21: {  	s13 =	rddreg [dreg:$0x10];
	s14 =	simm.s32 $0x6000  }
0x22: {  	[tilespmem:s14], [sflag:$0x3] =	stream.linear.gather [hbm4b:s13+s4], $0x2000, $0x38;
	[tilespmem:$0x1C000] =	vst v63  }
0x23: {  	s15 =	sadd.s32 $0x0, s7;
	_ =	swait.ge [sflag:s16], $0x2000  }
0x24: {  	s8 =	sadd.s32 $0x0, s6;
	s0 =	sadd.s32 $0x400, s15;
	[sflag:s16] =	ssyncset.done $0x0  }
0x25: {  	s12 =	sadd.s32 $0x0, s5;
	s31 =	rddreg [dreg:$0x9];
	[sflag:s16] =	ssyncadd.s32 $0xFFFFE000  }
0x26: {  	[tilespmem:s31], [sflag:$0x2] =	stream.linear.gather [hbm4b:s0+s4], $0x2000, $0x38;
	[tilespmem:$0x1C000] =	vst v63  }
0x27: {  	s9 =	sadd.s32 $0x400, s8;
	s2 =	sor.u32 $0x100400, s12;
	s13 =	rddreg [dreg:$0xa]  }
0x28: {  	[tilespmem:s13], [sflag:$0x4] =	stream.linear.gather [hbm4b:s9+s4], $0x2000, $0x38;
	[tilespmem:$0x1C000] =	vst v63  }
0x29: {  	s11 =	sadd.s32 s1, s2;
	s10 =	rddreg [dreg:$0xb];
	s0 =	sor.u32 $0x200400, s12  }
0x2a: {  	[tilespmem:s10], [sflag:$0x4] =	stream.linear.gather [hbm4b:s11+s4], $0x2000, $0x38;
	[tilespmem:$0x1C000] =	vst v63  }
0x2b: {  	s29 =	sor.u32 $0x300400, s12;
	s14 =	rddreg [dreg:$0xc];
	s12 =	sadd.s32 s1, s0  }
0x2c: {  	[tilespmem:s14], [sflag:$0x4] =	stream.linear.gather [hbm4b:s12+s4], $0x2000, $0x38;
	[tilespmem:$0x1C000] =	vst v63  }
0x2d: {  	s15 =	sadd.s32 s1, s29;
	s13 =	rddreg [dreg:$0xd]  }
0x2e: {  	[tilespmem:s13], [sflag:$0x4] =	stream.linear.gather [hbm4b:s15+s4], $0x2000, $0x38;
	[tilespmem:$0x1C000] =	vst v63  }
0x2f: {  	_ =	swait.ge [sflag:s17], $0x2000  }
0x30: {  	[sflag:s17] =	ssyncset.done $0x0  }
0x31: {  	[sflag:s17] =	ssyncadd.s32 $0xFFFFE000  }
0x32: {  	_ =	swait.ge [sflag:s17], $0x2000  }
0x33: {  	p0 =	por $0x1, $0x1;
	[sflag:s17] =	ssyncset.done $0x0  }
0x34: {  	s8 =	simm.s32 @!p0 $0x5;
	[sflag:s17] =	ssyncadd.s32 $0xFFFFE000  }
0x35: {  	_ =	swait.ge @!p0 [sflag:s8], $0x2000  }
0x36: {  	[sflag:s8] =	ssyncset.done @!p0 $0x0  }
0x37: {  	s9 =	stileid.u32;
	s12 =	simm.s32 @!p0 $0x7;
	[sflag:s8] =	ssyncadd.s32 @!p0 $0xFFFFE000  }
0x38: {  	s11 =	sshll.u32 s9, $0x6;
	_ =	swait.ge @!p0 [sflag:s12], $0x400  }
0x39: {  	s28 =	sor.u32 $0x1C07, s11;
	s31 =	rddreg [dreg:$0x6]  }
0x3a: {  	s10 =	rddreg [dreg:$0x5];
	[sflag:s12] =	ssyncset.done @!p0 $0x0;
	s8 =	sadd.s32 $0x0, s31  }
0x3b: {  	[sflag:s12] =	ssyncadd.s32 @!p0 $0xFFFFFC00;
	s13 =	sshrl.u32 s10, $0x3;
	s14 =	sadd.s32 $0x100000, s8  }
0x3c: {  	[hbm4b:s8+s4] =	stream.linear.scatter [tilespmem:s18], [sflag:$0x5], $0x2000, $0x38;
	[tilespmem:$0x1C000] =	vst v63  }
0x3d: {  	[hbm:s14], [sflag:s28] =	dma.local [spmem:s13], $0x400  }
0x3e: {  	_ =	swait.ge [sflag:s17], $0x2000  }
0x3f: {  	[sflag:s17] =	ssyncset.done $0x0  }
0x40: {  	[sflag:s17] =	ssyncadd.s32 $0xFFFFE000  }
0x41: {  	_ =	swait.ge [sflag:s17], $0x2000  }
0x42: {  	[sflag:s17] =	ssyncset.done $0x0  }
0x43: {  	s12 =	simm.s32 @!p0 $0x6;
	[sflag:s17] =	ssyncadd.s32 $0xFFFFE000  }
0x44: {  	_ =	swait.ge @!p0 [sflag:s12], $0x2000  }
0x45: {  	[sflag:s12] =	ssyncset.done @!p0 $0x0  }
0x46: {  	[sflag:s12] =	ssyncadd.s32 @!p0 $0xFFFFE000  }
0x47: {  	_ =	swait.ge @!p0 [sflag:s12], $0x2000  }
0x48: {  	[sflag:s12] =	ssyncset.done @!p0 $0x0  }
0x49: {  	s15 =	sadd.s32 $0x200000, s8;
	[sflag:s12] =	ssyncadd.s32 @!p0 $0xFFFFE000  }
0x4a: {  	[hbm4b:s15+s4] =	stream.linear.scatter [tilespmem:s19], [sflag:$0x6], $0x2000, $0x38;
	[tilespmem:$0x1C000] =	vst v63  }
0x4b: {  	s31 =	sadd.s32 $0x300000, s8  }
0x4c: {  	[hbm4b:s31+s4] =	stream.linear.scatter [tilespmem:s20], [sflag:$0x6], $0x2000, $0x38;
	[tilespmem:$0x1C000] =	vst v63  }
0x4d: {  	p0 =	por $0x0, $0x0;
	_ =	swait.ge [sflag:s21], $0x2000  }
0x4e: {  	s12 =	sadd.s32 @!p0 $0x0, s7;
	s14 =	simm.s32 @!p0 $0x16000;
	[sflag:s21] =	ssyncset.done $0x0  }
0x4f: {  	s15 =	simm.s32 @!p0 $0x0;
	s12 =	sadd.s32 @!p0 $0x800, s12;
	[sflag:s21] =	ssyncadd.s32 $0xFFFFE000  }
0x50: {  	[tilespmem:s14], [sflag:$0x1] =	stream.linear.gather @!p0 [hbm4b:s12+s15], $0x2000, $0x38;
	[tilespmem:$0x1C000] =	vst v63  }
0x51: {  	s12 =	sadd.s32 @!p0 $0x0, s6  }
0x52: {  	s14 =	rddreg [dreg:$0x7];
	s30 =	sadd.s32 @!p0 $0x800, s12  }
0x53: {  	[tilespmem:s15], [sflag:$0x3] =	stream.linear.gather @!p0 [hbm4b:s30+s15], $0x2000, $0x38;
	[tilespmem:$0x1C000] =	vst v63  }
0x54: {  	s14 =	sadd.s32 @!p0 $0x0, s14;
	s30 =	simm.s32 @!p0 $0x2000  }
0x55: {  	[tilespmem:s30], [sflag:$0x3] =	stream.linear.gather @!p0 [hbm4b:s14+s15], $0x2000, $0x38;
	[tilespmem:$0x1C000] =	vst v63  }
0x56: {  	s12 =	sadd.s32 @!p0 $0x200800, s12;
	s14 =	rddreg [dreg:$0x8];
	s30 =	simm.s32 @!p0 $0x4000  }
0x57: {  	[tilespmem:s30], [sflag:$0x3] =	stream.linear.gather @!p0 [hbm4b:s12+s15], $0x2000, $0x38;
	[tilespmem:$0x1C000] =	vst v63  }
0x58: {  	s14 =	sadd.s32 @!p0 $0x0, s14;
	s12 =	simm.s32 @!p0 $0x6000  }
0x59: {  	[tilespmem:s12], [sflag:$0x3] =	stream.linear.gather @!p0 [hbm4b:s14+s15], $0x2000, $0x38;
	[tilespmem:$0x1C000] =	vst v63  }
0x5a: {  	_ =	swait.ge [sflag:s22], $0x2000  }
0x5b: {  	[sflag:s22] =	ssyncset.done $0x0  }
0x5c: {  	[sflag:s22] =	ssyncadd.s32 $0xFFFFE000  }
0x5d: {  	_ =	swait.ge [sflag:s22], $0x2000  }
0x5e: {  	[sflag:s22] =	ssyncset.done $0x0  }
0x5f: {  	[sflag:s22] =	ssyncadd.s32 $0xFFFFE000  }
0x60: {  	_ =	swait.ge [sflag:s23], $0x2000  }
0x61: {  	[sflag:s23] =	ssyncset.done $0x0  }
0x62: {  	[sflag:s23] =	ssyncadd.s32 $0xFFFFE000  }
0x63: {  	_ =	swait.ge [sflag:s24], $0x400  }
0x64: {  	[sflag:s24] =	ssyncset.done $0x0  }
0x65: {  	s2 =	sadd.s32 s3, s2;
	s8 =	sadd.s32 $0x400, s8;
	[sflag:s24] =	ssyncadd.s32 $0xFFFFFC00  }
0x66: {  	[hbm4b:s8+s4] =	stream.linear.scatter [tilespmem:s18], [sflag:$0x5], $0x2000, $0x38;
	[tilespmem:$0x1C000] =	vst v63  }
0x67: {  	[hbm:s2], [sflag:s28] =	dma.local [spmem:s13], $0x400  }
0x68: {  	_ =	swait.ge [sflag:s22], $0x2000  }
0x69: {  	[sflag:s22] =	ssyncset.done $0x0  }
0x6a: {  	[sflag:s22] =	ssyncadd.s32 $0xFFFFE000  }
0x6b: {  	_ =	swait.ge [sflag:s22], $0x2000  }
0x6c: {  	[sflag:s22] =	ssyncset.done $0x0  }
0x6d: {  	[sflag:s22] =	ssyncadd.s32 $0xFFFFE000  }
0x6e: {  	_ =	swait.ge [sflag:s25], $0x2000  }
0x6f: {  	[sflag:s25] =	ssyncset.done $0x0  }
0x70: {  	s0 =	sadd.s32 s3, s0;
	s30 =	simm.s32 $0x800;
	[sflag:s25] =	ssyncadd.s32 $0xFFFFE000  }
.LBB2_2:
0x71: {  	_ =	swait.ge [sflag:s25], $0x2000  }
0x72: {  	[sflag:s25] =	ssyncset.done $0x0  }
0x73: {  	[sflag:s25] =	ssyncadd.s32 $0xFFFFE000  }
0x74: {  	[hbm4b:s0+s4] =	stream.linear.scatter [tilespmem:s19], [sflag:$0x6], $0x2000, $0x38;
	[tilespmem:$0x1C000] =	vst v63  }
0x75: {  	s8 =	sadd.s32 s3, s29  }
0x76: {  	[hbm4b:s8+s4] =	stream.linear.scatter [tilespmem:s20], [sflag:$0x6], $0x2000, $0x38;
	[tilespmem:$0x1C000] =	vst v63  }
0x77: {  	s10 =	sadd.s32 s30, s7;
	s13 =	smov.u32 s30;
	_ =	swait.ge [sflag:s16], $0x2000  }
0x78: {  	s11 =	sadd.s32 s13, s6;
	s29 =	sadd.s32 s13, s5;
	[sflag:s16] =	ssyncset.done $0x0  }
0x79: {  	s8 =	sadd.s32 $0x400, s10;
	s15 =	rddreg [dreg:$0x9];
	[sflag:s16] =	ssyncadd.s32 $0xFFFFE000  }
0x7a: {  	[tilespmem:s15], [sflag:$0x2] =	stream.linear.gather [hbm4b:s8+s4], $0x2000, $0x38;
	[tilespmem:$0x1C000] =	vst v63  }
0x7b: {  	s9 =	sadd.s32 $0x400, s11;
	s0 =	sor.u32 $0x100400, s29;
	s11 =	rddreg [dreg:$0xa]  }
0x7c: {  	[tilespmem:s11], [sflag:$0x4] =	stream.linear.gather [hbm4b:s9+s4], $0x2000, $0x38;
	[tilespmem:$0x1C000] =	vst v63  }
0x7d: {  	s31 =	sor.u32 $0x200400, s29;
	s10 =	rddreg [dreg:$0xb];
	s15 =	sadd.s32 s1, s0  }
0x7e: {  	[tilespmem:s10], [sflag:$0x4] =	stream.linear.gather [hbm4b:s15+s4], $0x2000, $0x38;
	[tilespmem:$0x1C000] =	vst v63  }
0x7f: {  	s29 =	sor.u32 $0x300400, s29;
	s9 =	rddreg [dreg:$0xc];
	s11 =	sadd.s32 s1, s31  }
0x80: {  	[tilespmem:s9], [sflag:$0x4] =	stream.linear.gather [hbm4b:s11+s4], $0x2000, $0x38;
	[tilespmem:$0x1C000] =	vst v63  }
0x81: {  	s15 =	rddreg [dreg:$0xd];
	s11 =	sadd.s32 s1, s29  }
0x82: {  	[tilespmem:s15], [sflag:$0x4] =	stream.linear.gather [hbm4b:s11+s4], $0x2000, $0x38;
	[tilespmem:$0x1C000] =	vst v63  }
0x83: {  	_ =	swait.ge [sflag:s17], $0x2000  }
0x84: {  	[sflag:s17] =	ssyncset.done $0x0  }
0x85: {  	[sflag:s17] =	ssyncadd.s32 $0xFFFFE000  }
0x86: {  	_ =	swait.ge [sflag:s17], $0x2000  }
0x87: {  	p2 =	seq.s32 s13, $0x0;
	[sflag:s17] =	ssyncset.done $0x0  }
0x88: {  	s8 =	simm.s32 @!p2 $0x5;
	[sflag:s17] =	ssyncadd.s32 $0xFFFFE000  }
0x89: {  	_ =	swait.ge @!p2 [sflag:s8], $0x2000  }
0x8a: {  	[sflag:s8] =	ssyncset.done @!p2 $0x0  }
0x8b: {  	s9 =	simm.s32 @!p2 $0x7;
	[sflag:s8] =	ssyncadd.s32 @!p2 $0xFFFFE000  }
0x8c: {  	_ =	swait.ge @!p2 [sflag:s9], $0x400  }
0x8d: {  	s15 =	rddreg [dreg:$0x6]  }
0x8e: {  	[sflag:s9] =	ssyncset.done @!p2 $0x0;
	s10 =	rddreg [dreg:$0x5];
	s8 =	sadd.s32 s13, s15  }
0x8f: {  	[sflag:s9] =	ssyncadd.s32 @!p2 $0xFFFFFC00;
	s15 =	sshrl.u32 s10, $0x3;
	s11 =	sadd.s32 $0x100000, s8  }
0x90: {  	[hbm4b:s8+s4] =	stream.linear.scatter [tilespmem:s18], [sflag:$0x5], $0x2000, $0x38;
	[tilespmem:$0x1C000] =	vst v63  }
0x91: {  	[hbm:s11], [sflag:s28] =	dma.local [spmem:s15], $0x400  }
0x92: {  	_ =	swait.ge [sflag:s17], $0x2000  }
0x93: {  	[sflag:s17] =	ssyncset.done $0x0  }
0x94: {  	[sflag:s17] =	ssyncadd.s32 $0xFFFFE000  }
0x95: {  	_ =	swait.ge [sflag:s17], $0x2000  }
0x96: {  	[sflag:s17] =	ssyncset.done $0x0  }
0x97: {  	s9 =	simm.s32 @!p2 $0x6;
	[sflag:s17] =	ssyncadd.s32 $0xFFFFE000  }
0x98: {  	_ =	swait.ge @!p2 [sflag:s9], $0x2000  }
0x99: {  	[sflag:s9] =	ssyncset.done @!p2 $0x0  }
0x9a: {  	[sflag:s9] =	ssyncadd.s32 @!p2 $0xFFFFE000  }
0x9b: {  	_ =	swait.ge @!p2 [sflag:s9], $0x2000  }
0x9c: {  	[sflag:s9] =	ssyncset.done @!p2 $0x0  }
0x9d: {  	s10 =	sadd.s32 $0x200000, s8;
	[sflag:s9] =	ssyncadd.s32 @!p2 $0xFFFFE000  }
0x9e: {  	[hbm4b:s10+s4] =	stream.linear.scatter [tilespmem:s19], [sflag:$0x6], $0x2000, $0x38;
	[tilespmem:$0x1C000] =	vst v63  }
0x9f: {  	p1 =	seq.s32 s30, $0x7800;
	s11 =	sadd.s32 $0x300000, s8  }
0xa0: {  	[hbm4b:s11+s4] =	stream.linear.scatter [tilespmem:s20], [sflag:$0x6], $0x2000, $0x38;
	[tilespmem:$0x1C000] =	vst v63  }
0xa1: {  	s2 =	sadd.s32 @!p1 s30, s7;
	_ =	swait.ge [sflag:s21], $0x2000  }
0xa2: {  	s12 =	sadd.s32 @!p1 s30, s6;
	s2 =	sadd.s32 @!p1 $0x800, s2;
	[sflag:s21] =	ssyncset.done $0x0  }
0xa3: {  	s9 =	simm.s32 @!p1 $0x16000;
	s10 =	simm.s32 @!p1 $0x0;
	[sflag:s21] =	ssyncadd.s32 $0xFFFFE000  }
0xa4: {  	[tilespmem:s9], [sflag:$0x1] =	stream.linear.gather @!p1 [hbm4b:s2+s10], $0x2000, $0x38;
	[tilespmem:$0x1C000] =	vst v63  }
0xa5: {  	s14 =	sadd.s32 @!p1 $0x800, s12;
	s11 =	rddreg [dreg:$0x7]  }
0xa6: {  	[tilespmem:s10], [sflag:$0x3] =	stream.linear.gather @!p1 [hbm4b:s14+s10], $0x2000, $0x38;
	[tilespmem:$0x1C000] =	vst v63  }
0xa7: {  	s2 =	simm.s32 @!p1 $0x2000;
	s9 =	sadd.s32 @!p1 s13, s11  }
0xa8: {  	[tilespmem:s2], [sflag:$0x3] =	stream.linear.gather @!p1 [hbm4b:s9+s10], $0x2000, $0x38;
	[tilespmem:$0x1C000] =	vst v63  }
0xa9: {  	s12 =	sadd.s32 @!p1 $0x200800, s12;
	s11 =	rddreg [dreg:$0x8];
	s2 =	simm.s32 @!p1 $0x4000  }
0xaa: {  	[tilespmem:s2], [sflag:$0x3] =	stream.linear.gather @!p1 [hbm4b:s12+s10], $0x2000, $0x38;
	[tilespmem:$0x1C000] =	vst v63  }
0xab: {  	s9 =	simm.s32 @!p1 $0x6000;
	s2 =	sadd.s32 @!p1 s13, s11  }
0xac: {  	[tilespmem:s9], [sflag:$0x3] =	stream.linear.gather @!p1 [hbm4b:s2+s10], $0x2000, $0x38;
	[tilespmem:$0x1C000] =	vst v63  }
0xad: {  	_ =	swait.ge [sflag:s22], $0x2000  }
0xae: {  	[sflag:s22] =	ssyncset.done $0x0  }
0xaf: {  	[sflag:s22] =	ssyncadd.s32 $0xFFFFE000  }
0xb0: {  	_ =	swait.ge [sflag:s22], $0x2000  }
0xb1: {  	[sflag:s22] =	ssyncset.done $0x0  }
0xb2: {  	[sflag:s22] =	ssyncadd.s32 $0xFFFFE000  }
0xb3: {  	_ =	swait.ge [sflag:s23], $0x2000  }
0xb4: {  	[sflag:s23] =	ssyncset.done $0x0  }
0xb5: {  	[sflag:s23] =	ssyncadd.s32 $0xFFFFE000  }
0xb6: {  	_ =	swait.ge [sflag:s24], $0x400  }
0xb7: {  	[sflag:s24] =	ssyncset.done $0x0  }
0xb8: {  	s0 =	sadd.s32 s3, s0;
	s14 =	sadd.s32 $0x400, s8;
	[sflag:s24] =	ssyncadd.s32 $0xFFFFFC00  }
0xb9: {  	[hbm4b:s14+s4] =	stream.linear.scatter [tilespmem:s18], [sflag:$0x5], $0x2000, $0x38;
	[tilespmem:$0x1C000] =	vst v63  }
0xba: {  	[hbm:s0], [sflag:s28] =	dma.local [spmem:s15], $0x400  }
0xbb: {  	_ =	swait.ge [sflag:s22], $0x2000  }
0xbc: {  	[sflag:s22] =	ssyncset.done $0x0  }
0xbd: {  	s30 =	sadd.s32 $0x800, s30;
	[sflag:s22] =	ssyncadd.s32 $0xFFFFE000  }
0xbe: {  	p0 =	sne.s32 s30, $0x8000;
	_ =	swait.ge [sflag:s22], $0x2000  }
.Ltmp0:
0xbf: {  	[sflag:s22] =	ssyncset.done $0x0;
	(pc) =	sbr.rel @p0 .LBB2_2-.Ltmp0, $4  }
0xc0: {  	[sflag:s22] =	ssyncadd.s32 $0xFFFFE000  }
0xc1: {  	_ =	swait.ge [sflag:s25], $0x2000  }
0xc2: {  	[sflag:s25] =	ssyncset.done $0x0  }
0xc3: {  	s0 =	sadd.s32 s3, s31;
	[sflag:s25] =	ssyncadd.s32 $0xFFFFE000  }
0xc4: {  	_ =	swait.ge [sflag:s25], $0x2000  }
0xc5: {  	[sflag:s25] =	ssyncset.done $0x0  }
0xc6: {  	[sflag:s25] =	ssyncadd.s32 $0xFFFFE000  }
0xc7: {  	[hbm4b:s0+s4] =	stream.linear.scatter [tilespmem:s19], [sflag:$0x6], $0x2000, $0x38;
	[tilespmem:$0x1C000] =	vst v63  }
0xc8: {  	s30 =	sadd.s32 s3, s29  }
0xc9: {  	[hbm4b:s30+s4] =	stream.linear.scatter [tilespmem:s20], [sflag:$0x6], $0x2000, $0x38;
	[tilespmem:$0x1C000] =	vst v63  }
0xca: {  	_ =	swait.ge [sflag:s23], $0x2000  }
0xcb: {  	[sflag:s23] =	ssyncset.done $0x0  }
0xcc: {  	[sflag:s23] =	ssyncadd.s32 $0xFFFFE000  }
0xcd: {  	_ =	swait.ge [sflag:s24], $0x400  }
0xce: {  	[sflag:s24] =	ssyncset.done $0x0  }
0xcf: {  	[sflag:s24] =	ssyncadd.s32 $0xFFFFFC00  }
0xd0: {  	_ =	swait.ge [sflag:s25], $0x2000  }
0xd1: {  	[sflag:s25] =	ssyncset.done $0x0  }
0xd2: {  	[sflag:s25] =	ssyncadd.s32 $0xFFFFE000  }
0xd3: {  	_ =	swait.ge [sflag:s25], $0x2000  }
0xd4: {  	s26 =	sadd.s32 $0x1, s26;
	s31 =	rddreg [dreg:$0x11]  }
0xd5: {  	p0 =	sne.s32 s26, s31  }
.Ltmp1:
0xd6: {  	_ = 	snop;
	(pc) =	sbr.rel @p0 .LBB2_1-.Ltmp1, $3  }
0xd7: {  	_ =	sdelay $0x1  }
0xd8: {  	[sflag:s25] =	ssyncset.done $0x0  }
0xd9: {  	[sflag:s25] =	ssyncadd.s32 $0xFFFFE000  }
0xda: {  	_ =	sfence.sel $0x180000  }
0xdb: {  	[bflag:$0x0] =	sbarrier.arrive $0xFFFF  }
0xdc: {  	_ =	strace $0x90000047  }
0xdd: {  	s0 =	stileid.u32;
	[bflag:$0x2] =	sbarrier.arrive $0xFFFF  }
0xde: {  	p0 =	sne.s32 s0, $0x0;
	s0 =	rddreg [dreg:$0x4]  }
0xdf: {  	s0 =	sadd.s32 @!p0 $0x100000, s0  }
0xe0: {  	[sflag:s0] =	ssyncadd.tile.s32 @!p0 $0x1;
	_ =	shalt  }
.Lfunc_end2:
_tile_overlayer_lowered:
.L_overlay_start_2:
0xe1: {  	(tag) =	ssettag $0x2  }
0xe2: {  	s0 =	rddreg [dreg:$0x0];
	s2 =	stileid.u32  }
0xe3: {  	s1 =	rddreg [dreg:$0x1];
	p0 =	sne.s32 s2, $0x0  }
0xe4: {  	s3 =	rddreg [dreg:$0x2];
	[bflag:$0x3] =	sbarrier.arrive $0xFFFF;
	s2 =	simm.s32 @!p0 $0x1C08  }
0xe5: {  	[timem:s3], [sflag:s2] =	dma.local @!p0 [hbm:s0], s1  }
0xe6: {  	s0 =	simm.s32 @!p0 $0x8  }
0xe7: {  	_ =	swait.ge @!p0 [sflag:s0], s1  }
0xe8: {  	s1 =	ssub.s32 @!p0 $0x0, s1;
	[sflag:s0] =	ssyncset.done @!p0 $0x0  }
0xe9: {  	[sflag:s0] =	ssyncadd.s32 @!p0 s1  }
0xea: {  	[bflag:$0x3] =	sbarrier.arrive $0xFFFF  }
0xeb: {  	_ =	shalt  }

</sc_bundles>
